<compile_context>
chip_gen: v7x
topology: tpu7x:2x2x1
jax: 0.10.2.dev20260603
libtpu: 0.0.44.dev20260713+nightly
codegen_flags: <defaults>
</compile_context>

<pallas_src>
import functools

import jax
import jax.numpy as jnp
from jax import lax
from jax.experimental import pallas as pl
from jax.experimental.pallas import tpu as pltpu
from jax.experimental.pallas import tpu_sc as plsc

N = 10000
E = 320000
NFEAT = 128
NHID = 64

NC = 2
NS = 16
NW = NC * NS
E_PER_W = E // NW
E_PER_T = E // NS
NHALF = NHID // 2
EDGE_BLK = 1000
N_BLKS = E_PER_T // EDGE_BLK
ROW_TILES = 10
ROWS_PER_TILE = N // ROW_TILES

_UNTILED = pltpu.CompilerParams(use_tc_tiling_on_sc=False)


@functools.cache
def _mesh():
    return plsc.VectorSubcoreMesh(core_axis_name="c", subcore_axis_name="s",
                                  num_cores=NC, num_subcores=NS)


def _sc_degree_body(eif_hbm, zeros1_hbm, deg_out, idx_v, ones_v, stage_v,
                    shared_deg):
    cid = lax.axis_index("c")
    sid = lax.axis_index("s")
    wid = cid * NS + sid

    @pl.when(sid < ROW_TILES)
    def _():
        sl = pl.ds(sid * ROWS_PER_TILE, ROWS_PER_TILE)
        pltpu.sync_copy(zeros1_hbm.at[sl], stage_v)
        pltpu.sync_copy(stage_v, shared_deg.at[sl])

    def fill(i, carry):
        ones_v[pl.ds(i * 16, 16)] = jnp.ones((16,), jnp.float32)
        return carry
    lax.fori_loop(0, E_PER_W // 16, fill, 0)

    pltpu.sync_copy(eif_hbm.at[pl.ds(2 * E + wid * E_PER_W, E_PER_W)], idx_v)

    plsc.subcore_barrier()
    pltpu.sync_copy(ones_v, shared_deg.at[idx_v], add=True)
    plsc.subcore_barrier()

    @pl.when(sid < ROW_TILES)
    def _():
        sl = pl.ds(sid * ROWS_PER_TILE, ROWS_PER_TILE)
        osl = pl.ds(cid * N + sid * ROWS_PER_TILE, ROWS_PER_TILE)
        pltpu.sync_copy(shared_deg.at[sl], stage_v)
        pltpu.sync_copy(stage_v, deg_out.at[osl])


@functools.cache
def _sc_degree():
    return pl.kernel(
        _sc_degree_body,
        out_type=jax.ShapeDtypeStruct((NC * N,), jnp.float32),
        mesh=_mesh(),
        scratch_types=[
            pltpu.VMEM((E_PER_W,), jnp.int32),
            pltpu.VMEM((E_PER_W,), jnp.float32),
            pltpu.VMEM((ROWS_PER_TILE,), jnp.float32),
            pltpu.VMEM_SHARED((N,), jnp.float32),
        ],
        compiler_params=_UNTILED,
    )


def _sc_aggregate_body(g_hbm, eif_hbm, zeros2_hbm, agg_out,
                       src_all, dst_all, rows_v0, rows_v1,
                       shared_agg, gsem0, gsem1, ssem0):
    cid = lax.axis_index("c")
    sid = lax.axis_index("s")

    rows_v = (rows_v0, rows_v1)
    gsem = (gsem0, gsem1)

    @pl.when(sid < ROW_TILES)
    def _():
        sl = pl.ds(sid * ROWS_PER_TILE, ROWS_PER_TILE)
        pltpu.sync_copy(zeros2_hbm.at[sl], rows_v0)
        pltpu.sync_copy(rows_v0, shared_agg.at[sl])

    plsc.subcore_barrier()

    base_e = sid * E_PER_T

    pltpu.sync_copy(eif_hbm.at[pl.ds(cid * E + base_e, E_PER_T)], src_all)
    pltpu.sync_copy(eif_hbm.at[pl.ds(2 * E + base_e, E_PER_T)], dst_all)

    def isl(i):
        return pl.ds(i * EDGE_BLK, EDGE_BLK)

    gd = [pltpu.async_copy(g_hbm.at[src_all.at[isl(0)]], rows_v[0],
                           gsem[0]), None]
    sd = None

    for i in range(N_BLKS):
        b = i % 2
        gd[b].wait()
        if sd is not None:
            sd.wait()
        sd = pltpu.async_copy(rows_v[b], shared_agg.at[dst_all.at[isl(i)]],
                              ssem0, add=True)
        if i + 1 < N_BLKS:
            nb = (i + 1) % 2
            gd[nb] = pltpu.async_copy(g_hbm.at[src_all.at[isl(i + 1)]],
                                      rows_v[nb], gsem[nb])
    sd.wait()

    plsc.subcore_barrier()

    @pl.when(sid < ROW_TILES)
    def _():
        sl = pl.ds(sid * ROWS_PER_TILE, ROWS_PER_TILE)
        pltpu.sync_copy(shared_agg.at[sl], rows_v0)
        pltpu.sync_copy(rows_v0,
                        agg_out.at[sl, pl.ds(cid * NHALF, NHALF)])


@functools.cache
def _sc_aggregate():
    return pl.kernel(
        _sc_aggregate_body,
        out_type=jax.ShapeDtypeStruct((N, 128), jnp.float32),
        mesh=_mesh(),
        scratch_types=[
            pltpu.VMEM((E_PER_T,), jnp.int32),
            pltpu.VMEM((E_PER_T,), jnp.int32),
            pltpu.VMEM((EDGE_BLK, NHALF), jnp.float32),
            pltpu.VMEM((EDGE_BLK, NHALF), jnp.float32),
            pltpu.VMEM_SHARED((N, NHALF), jnp.float32),
            pltpu.SemaphoreType.DMA,
            pltpu.SemaphoreType.DMA,
            pltpu.SemaphoreType.DMA,
        ],
        compiler_params=_UNTILED,
    )


def _tc_edgeprep_body(ei_ref, out_ref):
    s4 = ei_ref[0] * 4
    out_ref[pl.ds(0, E)] = s4
    out_ref[pl.ds(E, E)] = s4 + 1
    out_ref[pl.ds(2 * E, E)] = ei_ref[1]


def _tc_edgeprep(ei):
    return pl.pallas_call(
        _tc_edgeprep_body,
        out_shape=jax.ShapeDtypeStruct((3 * E,), jnp.int32),
    )(ei)


def _tc_matmul_body(x_ref, w1_ref, h_ref):
    h = jnp.dot(x_ref[...], w1_ref[...], preferred_element_type=jnp.float32)
    h_ref[...] = jnp.concatenate(
        [h, jnp.zeros((N, 128 - NHID), jnp.float32)], axis=1)


def _tc_matmul(x, w1):
    return pl.pallas_call(
        _tc_matmul_body,
        out_shape=jax.ShapeDtypeStruct((N, 128), jnp.float32),
    )(x, w1)


def _dinv_cols(deg_ref, ncols):
    d = deg_ref[pl.ds(0, N)] + deg_ref[pl.ds(N, N)]
    dinv_row = lax.rsqrt(jnp.maximum(d, 1.0))[None, :]
    ones_row = jnp.ones((1, ncols), jnp.float32)
    return lax.dot_general(dinv_row, ones_row, (((0,), (0,)), ((), ())),
                           preferred_element_type=jnp.float32)


def _tc_prescale_body(deg_ref, h_ref, g_ref):
    g = h_ref[...][:, :NHID] * _dinv_cols(deg_ref, NHID)
    g_ref[...] = jnp.concatenate(
        [g, jnp.zeros((N, 128 - NHID), jnp.float32)], axis=1)


def _tc_prescale(deg_flat, h):
    return pl.pallas_call(
        _tc_prescale_body,
        out_shape=jax.ShapeDtypeStruct((N, 128), jnp.float32),
    )(deg_flat, h)


def _tc_heads_body(agg_ref, deg_ref, b1_ref, wc_ref, ws_ref, bc_ref, bs_ref,
                   z_ref, y_ref, s_ref):
    agg = agg_ref[...][:, :NHID]
    z = agg * _dinv_cols(deg_ref, NHID) + b1_ref[...]
    z_ref[...] = z
    y_ref[...] = jnp.sum(z * wc_ref[...], axis=1) + bc_ref[0, 0]
    s_ref[...] = jnp.sum(z * ws_ref[...], axis=1) + bs_ref[0, 0]


def _tc_heads(agg, deg_flat, b1, wc, ws, bc, bs):
    return pl.pallas_call(
        _tc_heads_body,
        out_shape=(
            jax.ShapeDtypeStruct((N, NHID), jnp.float32),
            jax.ShapeDtypeStruct((N,), jnp.float32),
            jax.ShapeDtypeStruct((N,), jnp.float32),
        ),
    )(agg, deg_flat, b1, wc, ws, bc, bs)


def kernel(x, edge_index, W1, b1, Wc, bc, Ws, bs):
    if edge_index.dtype != jnp.int32:
        edge_index = edge_index.astype(jnp.int32)

    if edge_index.dtype != jnp.int32:
        edge_index = edge_index.astype(jnp.int32)
    ei3 = _tc_edgeprep(edge_index)
    zeros1 = jnp.zeros((N,), jnp.float32)
    zeros2 = jnp.zeros((N, NHALF), jnp.float32)

    h = _tc_matmul(x, W1)
    deg_flat = _sc_degree()(ei3, zeros1)
    g = _tc_prescale(deg_flat, h)
    g4 = g.reshape(4 * N, 32)
    agg_parts = _sc_aggregate()(g4, ei3, zeros2)

    z, y, s = _tc_heads(agg_parts, deg_flat, b1[None, :],
                        Wc.reshape(1, NHID), Ws.reshape(1, NHID),
                        bc[None, :], bs[None, :])
    return (z, y[:, None], s[:, None])

# --- scband reference (transcript-rebuilt; emitter-appended) ---
"""Pipeline reference for scband-fair-gnn-22505628631093 (READ-ONLY COPY).

The authoritative reference and input builder live on the scoring server;
editing this copy changes nothing except your own understanding.
"""

import jax, jax.numpy as jnp
import numpy as np

N = 10000
E = 320000
NFEAT = 128
NHID = 64


def setup_inputs(seed: int = 0) -> dict:
    key = jax.random.key(seed)
    ks = jax.random.split(key, 8)
    x = jax.random.normal(ks[0], (N, NFEAT), dtype=jnp.float32)
    edge_index = jax.random.randint(ks[1], (2, E), 0, N)
    # GCN layer params (GCN_Body: single GraphConvolution nfeat->nhid)
    W1 = jax.random.normal(ks[2], (NFEAT, NHID), dtype=jnp.float32) * (1.0 / np.sqrt(NFEAT))
    b1 = jnp.zeros((NHID,), dtype=jnp.float32)
    # classifier heads (nhid -> 1)
    Wc = jax.random.normal(ks[3], (NHID, 1), dtype=jnp.float32) * (1.0 / np.sqrt(NHID))
    bc = jnp.zeros((1,), dtype=jnp.float32)
    Ws = jax.random.normal(ks[4], (NHID, 1), dtype=jnp.float32) * (1.0 / np.sqrt(NHID))
    bs = jnp.zeros((1,), dtype=jnp.float32)
    return {"x": x, "edge_index": edge_index, "W1": W1, "b1": b1, "Wc": Wc, "bc": bc, "Ws": Ws, "bs": bs}


def reference(x, edge_index, W1, b1, Wc, bc, Ws, bs):
    src = edge_index[0]
    dst = edge_index[1]
    # symmetric degree normalization (GCN)
    ones = jnp.ones((E,), dtype=jnp.float32)
    deg = jax.ops.segment_sum(ones, dst, num_segments=N)
    deg = jnp.maximum(deg, 1.0)
    dinv = 1.0 / jnp.sqrt(deg)
    norm = dinv[src] * dinv[dst]
    # GCN_Body: z = A_norm @ (x W1) + b1
    h = x @ W1
    msg = h[src] * norm[:, None]
    agg = jax.ops.segment_sum(msg, dst, num_segments=N)
    z = agg + b1
    # FairGnn heads
    y = z @ Wc + bc
    s = z @ Ws + bs
    return (z, y, s)

if __name__ == "__main__":
    import jax
    _d = setup_inputs()
    print(jax.jit(kernel)(*tuple(_d.values())))

</pallas_src>

<mosaic_0001>
#map = affine_map<(d0, d1) -> (0)>
module attributes {stable_mosaic.version = 14 : i64} {
  func.func @_sc_degree_body(%arg0: i32, %arg1: i32, %arg2: memref<960000xi32, #tpu.memory_space<hbm>>, %arg3: memref<10000xf32, #tpu.memory_space<hbm>>, %arg4: memref<20000xf32, #tpu.memory_space<hbm>>, %arg5: memref<10000xi32, #tpu.memory_space<vmem>>, %arg6: memref<10000xf32, #tpu.memory_space<vmem>>, %arg7: memref<1000xf32, #tpu.memory_space<vmem>>, %arg8: memref<10000xf32, #tpu.memory_space<vmem_shared>>) attributes {dimension_semantics = [#tpu.dimension_semantics<core_parallel>, #tpu.dimension_semantics<subcore_parallel>], iteration_bounds = array<i64: 2, 16>, scalar_prefetch = 0 : i64, scratch_operands = 4 : i64, tpu.core_type = #tpu.core_type<sc_vector_subcore>, window_params = [{transform_indices = #map}, {transform_indices = #map}, {transform_indices = #map}]} {
    %mul3A = arith.constant 16 : i32
    %mul3A_0 = arith.muli %arg0, %mul3A : i32
    %add3A = arith.addi %mul3A_0, %arg1 : i32
    %lt3A = arith.constant 10 : i32
    %lt3A_1 = arith.cmpi slt, %arg1, %lt3A : i32
    %convert_element_type3A = arith.extui %lt3A_1 : i1 to i32
    %cond3A = arith.constant 0 : i32
    %cond3A_2 = arith.cmpi ne, %convert_element_type3A, %cond3A : i32
    scf.if %cond3A_2 {
      %mul3A_18 = arith.constant 1000 : i32
      %mul3A_19 = arith.muli %arg1, %mul3A_18 : i32
      "tpu.region"() ({
        %run_scoped3A = tpu.sem_alloc : memref<!tpu.dma_semaphore, #tpu.memory_space<semaphore_mem>>
        %dma_start3A = tpu.memref_slice %arg3[%mul3A_19] : memref<10000xf32, #tpu.memory_space<hbm>> -> memref<1000xf32, #tpu.memory_space<hbm>>
        %dma_start3A_20 = tpu.memref_slice %arg3[%mul3A_19] : memref<10000xf32, #tpu.memory_space<hbm>> -> memref<1000xf32, #tpu.memory_space<hbm>>
        tpu.enqueue_dma source(%dma_start3A_20 : memref<1000xf32, #tpu.memory_space<hbm>>) target(%arg7 : memref<1000xf32, #tpu.memory_space<vmem>>) target_semaphore(%run_scoped3A : memref<!tpu.dma_semaphore, #tpu.memory_space<semaphore_mem>>)
        %dma_wait3A = tpu.memref_slice %arg3[%mul3A_19] : memref<10000xf32, #tpu.memory_space<hbm>> -> memref<1000xf32, #tpu.memory_space<hbm>>
        %dma_wait3A_21 = tpu.memref_slice %arg3[%mul3A_19] : memref<10000xf32, #tpu.memory_space<hbm>> -> memref<1000xf32, #tpu.memory_space<hbm>>
        tpu.wait_dma2 semaphore(%run_scoped3A : memref<!tpu.dma_semaphore, #tpu.memory_space<semaphore_mem>>) src(%dma_wait3A_21 : memref<1000xf32, #tpu.memory_space<hbm>>) dst(%arg7 : memref<1000xf32, #tpu.memory_space<vmem>>)
        tpu.yield
      }) : () -> ()
      "tpu.region"() ({
        %run_scoped3A = tpu.sem_alloc : memref<!tpu.dma_semaphore, #tpu.memory_space<semaphore_mem>>
        %dma_start3A = tpu.memref_slice %arg8[%mul3A_19] : memref<10000xf32, #tpu.memory_space<vmem_shared>> -> memref<1000xf32, #tpu.memory_space<vmem_shared>>
        %dma_start3A_20 = tpu.memref_slice %arg8[%mul3A_19] : memref<10000xf32, #tpu.memory_space<vmem_shared>> -> memref<1000xf32, #tpu.memory_space<vmem_shared>>
        tpu.enqueue_dma source(%arg7 : memref<1000xf32, #tpu.memory_space<vmem>>) target(%dma_start3A_20 : memref<1000xf32, #tpu.memory_space<vmem_shared>>) target_semaphore(%run_scoped3A : memref<!tpu.dma_semaphore, #tpu.memory_space<semaphore_mem>>)
        %dma_wait3A = tpu.memref_slice %arg8[%mul3A_19] : memref<10000xf32, #tpu.memory_space<vmem_shared>> -> memref<1000xf32, #tpu.memory_space<vmem_shared>>
        %dma_wait3A_21 = tpu.memref_slice %arg8[%mul3A_19] : memref<10000xf32, #tpu.memory_space<vmem_shared>> -> memref<1000xf32, #tpu.memory_space<vmem_shared>>
        tpu.wait_dma2 semaphore(%run_scoped3A : memref<!tpu.dma_semaphore, #tpu.memory_space<semaphore_mem>>) src(%arg7 : memref<1000xf32, #tpu.memory_space<vmem>>) dst(%dma_wait3A_21 : memref<1000xf32, #tpu.memory_space<vmem_shared>>)
        tpu.yield
      }) : () -> ()
    } else {
    }
    %scan3A = arith.constant 0 : i32
    %scan3A_3 = arith.constant 0 : i32
    %scan3A_4 = arith.constant 625 : i32
    %scan3A_5 = arith.addi %scan3A_3, %scan3A_4 : i32
    %scan3A_6 = arith.constant 1 : i32
    scf.for %scan3A_18 = %scan3A_3 to %scan3A_5 step %scan3A_6  : i32 {
      %broadcast_in_dim3A = arith.constant 1.000000e+00 : f32
      %broadcast_in_dim3A_19 = vector.broadcast %broadcast_in_dim3A : f32 to vector<16xf32>
      %mul3A_20 = arith.constant 16 : i32
      %mul3A_21 = arith.muli %scan3A_18, %mul3A_20 : i32
      %swap3A = arith.index_cast %mul3A_21 : i32 to index
      %swap3A_22 = tpu.vector_load %arg6[%swap3A] {strides = array<i32>} : memref<10000xf32, #tpu.memory_space<vmem>>, vector<16xf32>,
      %swap3A_23 = vector.shape_cast %swap3A_22 : vector<16xf32> to vector<16xf32>
      %swap3A_24 = vector.shape_cast %broadcast_in_dim3A_19 : vector<16xf32> to vector<16xf32>
      tpu.vector_store %arg6[%swap3A], %swap3A_24 {strides = array<i32>} : memref<10000xf32, #tpu.memory_space<vmem>>, vector<16xf32>,
    }
    %scan3A_7 = arith.constant 625 : i32
    %mul3A_8 = arith.constant 10000 : i32
    %mul3A_9 = arith.muli %add3A, %mul3A_8 : i32
    %add3A_10 = arith.constant 640000 : i32
    %add3A_11 = arith.addi %add3A_10, %mul3A_9 : i32
    "tpu.region"() ({
      %run_scoped3A = tpu.sem_alloc : memref<!tpu.dma_semaphore, #tpu.memory_space<semaphore_mem>>
      %dma_start3A = tpu.memref_slice %arg2[%add3A_11] : memref<960000xi32, #tpu.memory_space<hbm>> -> memref<10000xi32, #tpu.memory_space<hbm>>
      %dma_start3A_18 = tpu.memref_slice %arg2[%add3A_11] : memref<960000xi32, #tpu.memory_space<hbm>> -> memref<10000xi32, #tpu.memory_space<hbm>>
      tpu.enqueue_dma source(%dma_start3A_18 : memref<10000xi32, #tpu.memory_space<hbm>>) target(%arg5 : memref<10000xi32, #tpu.memory_space<vmem>>) target_semaphore(%run_scoped3A : memref<!tpu.dma_semaphore, #tpu.memory_space<semaphore_mem>>)
      %dma_wait3A = tpu.memref_slice %arg2[%add3A_11] : memref<960000xi32, #tpu.memory_space<hbm>> -> memref<10000xi32, #tpu.memory_space<hbm>>
      %dma_wait3A_19 = tpu.memref_slice %arg2[%add3A_11] : memref<960000xi32, #tpu.memory_space<hbm>> -> memref<10000xi32, #tpu.memory_space<hbm>>
      tpu.wait_dma2 semaphore(%run_scoped3A : memref<!tpu.dma_semaphore, #tpu.memory_space<semaphore_mem>>) src(%dma_wait3A_19 : memref<10000xi32, #tpu.memory_space<hbm>>) dst(%arg5 : memref<10000xi32, #tpu.memory_space<vmem>>)
      tpu.yield
    }) : () -> ()
    %barrier3A = arith.constant 0 : index
    tpu.barrier barrier_id(%barrier3A)
    "tpu.region"() ({
      %run_scoped3A = tpu.sem_alloc : memref<!tpu.dma_semaphore, #tpu.memory_space<semaphore_mem>>
      %dma_start3A = arith.constant 0 : i32
      %dma_start3A_18 = tpu.memref_slice %arg8[%dma_start3A] : memref<10000xf32, #tpu.memory_space<vmem_shared>> -> memref<10000xf32, #tpu.memory_space<vmem_shared>>
      tpu.enqueue_indirect_dma source(%arg6 : memref<10000xf32, #tpu.memory_space<vmem>>) target(%dma_start3A_18 : memref<10000xf32, #tpu.memory_space<vmem_shared>>) offsets(%arg5 : memref<10000xi32, #tpu.memory_space<vmem>>) semaphore(%run_scoped3A : memref<!tpu.dma_semaphore, #tpu.memory_space<semaphore_mem>>) {add = true}
      %dma_wait3A = arith.constant 0 : i32
      %dma_wait3A_19 = tpu.memref_slice %arg8[%dma_wait3A] : memref<10000xf32, #tpu.memory_space<vmem_shared>> -> memref<10000xf32, #tpu.memory_space<vmem_shared>>
      tpu.wait_indirect_dma semaphore(%run_scoped3A : memref<!tpu.dma_semaphore, #tpu.memory_space<semaphore_mem>>) src(%arg6 : memref<10000xf32, #tpu.memory_space<vmem>>) dst(%dma_wait3A_19 : memref<10000xf32, #tpu.memory_space<vmem_shared>>)
      tpu.yield
    }) : () -> ()
    %barrier3A_12 = arith.constant 0 : index
    tpu.barrier barrier_id(%barrier3A_12)
    %lt3A_13 = arith.constant 10 : i32
    %lt3A_14 = arith.cmpi slt, %arg1, %lt3A_13 : i32
    %convert_element_type3A_15 = arith.extui %lt3A_14 : i1 to i32
    %cond3A_16 = arith.constant 0 : i32
    %cond3A_17 = arith.cmpi ne, %convert_element_type3A_15, %cond3A_16 : i32
    scf.if %cond3A_17 {
      %mul3A_18 = arith.constant 1000 : i32
      %mul3A_19 = arith.muli %arg1, %mul3A_18 : i32
      %mul3A_20 = arith.constant 10000 : i32
      %mul3A_21 = arith.muli %arg0, %mul3A_20 : i32
      %mul3A_22 = arith.constant 1000 : i32
      %mul3A_23 = arith.muli %arg1, %mul3A_22 : i32
      %add3A_24 = arith.addi %mul3A_21, %mul3A_23 : i32
      "tpu.region"() ({
        %run_scoped3A = tpu.sem_alloc : memref<!tpu.dma_semaphore, #tpu.memory_space<semaphore_mem>>
        %dma_start3A = tpu.memref_slice %arg8[%mul3A_19] : memref<10000xf32, #tpu.memory_space<vmem_shared>> -> memref<1000xf32, #tpu.memory_space<vmem_shared>>
        %dma_start3A_25 = tpu.memref_slice %arg8[%mul3A_19] : memref<10000xf32, #tpu.memory_space<vmem_shared>> -> memref<1000xf32, #tpu.memory_space<vmem_shared>>
        tpu.enqueue_dma source(%dma_start3A_25 : memref<1000xf32, #tpu.memory_space<vmem_shared>>) target(%arg7 : memref<1000xf32, #tpu.memory_space<vmem>>) target_semaphore(%run_scoped3A : memref<!tpu.dma_semaphore, #tpu.memory_space<semaphore_mem>>)
        %dma_wait3A = tpu.memref_slice %arg8[%mul3A_19] : memref<10000xf32, #tpu.memory_space<vmem_shared>> -> memref<1000xf32, #tpu.memory_space<vmem_shared>>
        %dma_wait3A_26 = tpu.memref_slice %arg8[%mul3A_19] : memref<10000xf32, #tpu.memory_space<vmem_shared>> -> memref<1000xf32, #tpu.memory_space<vmem_shared>>
        tpu.wait_dma2 semaphore(%run_scoped3A : memref<!tpu.dma_semaphore, #tpu.memory_space<semaphore_mem>>) src(%dma_wait3A_26 : memref<1000xf32, #tpu.memory_space<vmem_shared>>) dst(%arg7 : memref<1000xf32, #tpu.memory_space<vmem>>)
        tpu.yield
      }) : () -> ()
      "tpu.region"() ({
        %run_scoped3A = tpu.sem_alloc : memref<!tpu.dma_semaphore, #tpu.memory_space<semaphore_mem>>
        %dma_start3A = tpu.memref_slice %arg4[%add3A_24] : memref<20000xf32, #tpu.memory_space<hbm>> -> memref<1000xf32, #tpu.memory_space<hbm>>
        %dma_start3A_25 = tpu.memref_slice %arg4[%add3A_24] : memref<20000xf32, #tpu.memory_space<hbm>> -> memref<1000xf32, #tpu.memory_space<hbm>>
        tpu.enqueue_dma source(%arg7 : memref<1000xf32, #tpu.memory_space<vmem>>) target(%dma_start3A_25 : memref<1000xf32, #tpu.memory_space<hbm>>) target_semaphore(%run_scoped3A : memref<!tpu.dma_semaphore, #tpu.memory_space<semaphore_mem>>)
        %dma_wait3A = tpu.memref_slice %arg4[%add3A_24] : memref<20000xf32, #tpu.memory_space<hbm>> -> memref<1000xf32, #tpu.memory_space<hbm>>
        %dma_wait3A_26 = tpu.memref_slice %arg4[%add3A_24] : memref<20000xf32, #tpu.memory_space<hbm>> -> memref<1000xf32, #tpu.memory_space<hbm>>
        tpu.wait_dma2 semaphore(%run_scoped3A : memref<!tpu.dma_semaphore, #tpu.memory_space<semaphore_mem>>) src(%arg7 : memref<1000xf32, #tpu.memory_space<vmem>>) dst(%dma_wait3A_26 : memref<1000xf32, #tpu.memory_space<hbm>>)
        tpu.yield
      }) : () -> ()
    } else {
    }
    return
  }
}

#map = affine_map<(d0, d1) -> (0, 0)>
#map1 = affine_map<(d0, d1) -> (0)>
module attributes {stable_mosaic.version = 14 : i64} {
  func.func @_sc_aggregate_body(%arg0: i32, %arg1: i32, %arg2: memref<40000x32xf32, #tpu.memory_space<hbm>>, %arg3: memref<960000xi32, #tpu.memory_space<hbm>>, %arg4: memref<10000x32xf32, #tpu.memory_space<hbm>>, %arg5: memref<10000x128xf32, #tpu.memory_space<hbm>>, %arg6: memref<20000xi32, #tpu.memory_space<vmem>>, %arg7: memref<20000xi32, #tpu.memory_space<vmem>>, %arg8: memref<1000x32xf32, #tpu.memory_space<vmem>>, %arg9: memref<1000x32xf32, #tpu.memory_space<vmem>>, %arg10: memref<10000x32xf32, #tpu.memory_space<vmem_shared>>, %arg11: memref<!tpu.dma_semaphore, #tpu.memory_space<semaphore_mem>>, %arg12: memref<!tpu.dma_semaphore, #tpu.memory_space<semaphore_mem>>, %arg13: memref<!tpu.dma_semaphore, #tpu.memory_space<semaphore_mem>>) attributes {dimension_semantics = [#tpu.dimension_semantics<core_parallel>, #tpu.dimension_semantics<subcore_parallel>], iteration_bounds = array<i64: 2, 16>, scalar_prefetch = 0 : i64, scratch_operands = 8 : i64, tpu.core_type = #tpu.core_type<sc_vector_subcore>, window_params = [{transform_indices = #map}, {transform_indices = #map1}, {transform_indices = #map}, {transform_indices = #map}]} {
    %lt3A = arith.constant 10 : i32
    %lt3A_0 = arith.cmpi slt, %arg1, %lt3A : i32
    %convert_element_type3A = arith.extui %lt3A_0 : i1 to i32
    %cond3A = arith.constant 0 : i32
    %cond3A_1 = arith.cmpi ne, %convert_element_type3A, %cond3A : i32
    scf.if %cond3A_1 {
      %mul3A_411 = arith.constant 1000 : i32
      %mul3A_412 = arith.muli %arg1, %mul3A_411 : i32
      "tpu.region"() ({
        %run_scoped3A = tpu.sem_alloc : memref<!tpu.dma_semaphore, #tpu.memory_space<semaphore_mem>>
        %dma_start3A_413 = arith.constant 0 : i32
        %dma_start3A_414 = tpu.memref_slice %arg4[%mul3A_412, %dma_start3A_413] : memref<10000x32xf32, #tpu.memory_space<hbm>> -> memref<1000x32xf32, #tpu.memory_space<hbm>>
        %dma_start3A_415 = arith.constant 0 : i32
        %dma_start3A_416 = tpu.memref_slice %arg4[%mul3A_412, %dma_start3A_415] : memref<10000x32xf32, #tpu.memory_space<hbm>> -> memref<1000x32xf32, #tpu.memory_space<hbm>>
        tpu.enqueue_dma source(%dma_start3A_416 : memref<1000x32xf32, #tpu.memory_space<hbm>>) target(%arg8 : memref<1000x32xf32, #tpu.memory_space<vmem>>) target_semaphore(%run_scoped3A : memref<!tpu.dma_semaphore, #tpu.memory_space<semaphore_mem>>)
        %dma_wait3A_417 = arith.constant 0 : i32
        %dma_wait3A_418 = tpu.memref_slice %arg4[%mul3A_412, %dma_wait3A_417] : memref<10000x32xf32, #tpu.memory_space<hbm>> -> memref<1000x32xf32, #tpu.memory_space<hbm>>
        %dma_wait3A_419 = arith.constant 0 : i32
        %dma_wait3A_420 = tpu.memref_slice %arg4[%mul3A_412, %dma_wait3A_419] : memref<10000x32xf32, #tpu.memory_space<hbm>> -> memref<1000x32xf32, #tpu.memory_space<hbm>>
        tpu.wait_dma2 semaphore(%run_scoped3A : memref<!tpu.dma_semaphore, #tpu.memory_space<semaphore_mem>>) src(%dma_wait3A_420 : memref<1000x32xf32, #tpu.memory_space<hbm>>) dst(%arg8 : memref<1000x32xf32, #tpu.memory_space<vmem>>)
        tpu.yield
      }) : () -> ()
      "tpu.region"() ({
        %run_scoped3A = tpu.sem_alloc : memref<!tpu.dma_semaphore, #tpu.memory_space<semaphore_mem>>
        %dma_start3A_413 = arith.constant 0 : i32
        %dma_start3A_414 = tpu.memref_slice %arg10[%mul3A_412, %dma_start3A_413] : memref<10000x32xf32, #tpu.memory_space<vmem_shared>> -> memref<1000x32xf32, #tpu.memory_space<vmem_shared>>
        %dma_start3A_415 = arith.constant 0 : i32
        %dma_start3A_416 = tpu.memref_slice %arg10[%mul3A_412, %dma_start3A_415] : memref<10000x32xf32, #tpu.memory_space<vmem_shared>> -> memref<1000x32xf32, #tpu.memory_space<vmem_shared>>
        tpu.enqueue_dma source(%arg8 : memref<1000x32xf32, #tpu.memory_space<vmem>>) target(%dma_start3A_416 : memref<1000x32xf32, #tpu.memory_space<vmem_shared>>) target_semaphore(%run_scoped3A : memref<!tpu.dma_semaphore, #tpu.memory_space<semaphore_mem>>)
        %dma_wait3A_417 = arith.constant 0 : i32
        %dma_wait3A_418 = tpu.memref_slice %arg10[%mul3A_412, %dma_wait3A_417] : memref<10000x32xf32, #tpu.memory_space<vmem_shared>> -> memref<1000x32xf32, #tpu.memory_space<vmem_shared>>
        %dma_wait3A_419 = arith.constant 0 : i32
        %dma_wait3A_420 = tpu.memref_slice %arg10[%mul3A_412, %dma_wait3A_419] : memref<10000x32xf32, #tpu.memory_space<vmem_shared>> -> memref<1000x32xf32, #tpu.memory_space<vmem_shared>>
        tpu.wait_dma2 semaphore(%run_scoped3A : memref<!tpu.dma_semaphore, #tpu.memory_space<semaphore_mem>>) src(%arg8 : memref<1000x32xf32, #tpu.memory_space<vmem>>) dst(%dma_wait3A_420 : memref<1000x32xf32, #tpu.memory_space<vmem_shared>>)
        tpu.yield
      }) : () -> ()
    } else {
    }
    %barrier3A = arith.constant 0 : index
    tpu.barrier barrier_id(%barrier3A)
    %mul3A = arith.constant 20000 : i32
    %mul3A_2 = arith.muli %arg1, %mul3A : i32
    %mul3A_3 = arith.constant 320000 : i32
    %mul3A_4 = arith.muli %arg0, %mul3A_3 : i32
    %add3A = arith.addi %mul3A_4, %mul3A_2 : i32
    "tpu.region"() ({
      %run_scoped3A = tpu.sem_alloc : memref<!tpu.dma_semaphore, #tpu.memory_space<semaphore_mem>>
      %dma_start3A_411 = tpu.memref_slice %arg3[%add3A] : memref<960000xi32, #tpu.memory_space<hbm>> -> memref<20000xi32, #tpu.memory_space<hbm>>
      %dma_start3A_412 = tpu.memref_slice %arg3[%add3A] : memref<960000xi32, #tpu.memory_space<hbm>> -> memref<20000xi32, #tpu.memory_space<hbm>>
      tpu.enqueue_dma source(%dma_start3A_412 : memref<20000xi32, #tpu.memory_space<hbm>>) target(%arg6 : memref<20000xi32, #tpu.memory_space<vmem>>) target_semaphore(%run_scoped3A : memref<!tpu.dma_semaphore, #tpu.memory_space<semaphore_mem>>)
      %dma_wait3A_413 = tpu.memref_slice %arg3[%add3A] : memref<960000xi32, #tpu.memory_space<hbm>> -> memref<20000xi32, #tpu.memory_space<hbm>>
      %dma_wait3A_414 = tpu.memref_slice %arg3[%add3A] : memref<960000xi32, #tpu.memory_space<hbm>> -> memref<20000xi32, #tpu.memory_space<hbm>>
      tpu.wait_dma2 semaphore(%run_scoped3A : memref<!tpu.dma_semaphore, #tpu.memory_space<semaphore_mem>>) src(%dma_wait3A_414 : memref<20000xi32, #tpu.memory_space<hbm>>) dst(%arg6 : memref<20000xi32, #tpu.memory_space<vmem>>)
      tpu.yield
    }) : () -> ()
    %add3A_5 = arith.constant 640000 : i32
    %add3A_6 = arith.addi %add3A_5, %mul3A_2 : i32
    "tpu.region"() ({
      %run_scoped3A = tpu.sem_alloc : memref<!tpu.dma_semaphore, #tpu.memory_space<semaphore_mem>>
      %dma_start3A_411 = tpu.memref_slice %arg3[%add3A_6] : memref<960000xi32, #tpu.memory_space<hbm>> -> memref<20000xi32, #tpu.memory_space<hbm>>
      %dma_start3A_412 = tpu.memref_slice %arg3[%add3A_6] : memref<960000xi32, #tpu.memory_space<hbm>> -> memref<20000xi32, #tpu.memory_space<hbm>>
      tpu.enqueue_dma source(%dma_start3A_412 : memref<20000xi32, #tpu.memory_space<hbm>>) target(%arg7 : memref<20000xi32, #tpu.memory_space<vmem>>) target_semaphore(%run_scoped3A : memref<!tpu.dma_semaphore, #tpu.memory_space<semaphore_mem>>)
      %dma_wait3A_413 = tpu.memref_slice %arg3[%add3A_6] : memref<960000xi32, #tpu.memory_space<hbm>> -> memref<20000xi32, #tpu.memory_space<hbm>>
      %dma_wait3A_414 = tpu.memref_slice %arg3[%add3A_6] : memref<960000xi32, #tpu.memory_space<hbm>> -> memref<20000xi32, #tpu.memory_space<hbm>>
      tpu.wait_dma2 semaphore(%run_scoped3A : memref<!tpu.dma_semaphore, #tpu.memory_space<semaphore_mem>>) src(%dma_wait3A_414 : memref<20000xi32, #tpu.memory_space<hbm>>) dst(%arg7 : memref<20000xi32, #tpu.memory_space<vmem>>)
      tpu.yield
    }) : () -> ()
    %dma_start3A = arith.constant 0 : i32
    %dma_start3A_7 = tpu.memref_slice %arg6[%dma_start3A] : memref<20000xi32, #tpu.memory_space<vmem>> -> memref<1000xi32, #tpu.memory_space<vmem>>
    %dma_start3A_8 = arith.constant 0 : i32
    %dma_start3A_9 = arith.constant 0 : i32
    %dma_start3A_10 = tpu.memref_slice %arg2[%dma_start3A_8, %dma_start3A_9] : memref<40000x32xf32, #tpu.memory_space<hbm>> -> memref<40000x32xf32, #tpu.memory_space<hbm>>
    tpu.enqueue_indirect_dma source(%dma_start3A_10 : memref<40000x32xf32, #tpu.memory_space<hbm>>) target(%arg8 : memref<1000x32xf32, #tpu.memory_space<vmem>>) offsets(%dma_start3A_7 : memref<1000xi32, #tpu.memory_space<vmem>>) semaphore(%arg11 : memref<!tpu.dma_semaphore, #tpu.memory_space<semaphore_mem>>)
    %dma_wait3A = arith.constant 0 : i32
    %dma_wait3A_11 = tpu.memref_slice %arg6[%dma_wait3A] : memref<20000xi32, #tpu.memory_space<vmem>> -> memref<1000xi32, #tpu.memory_space<vmem>>
    %dma_wait3A_12 = arith.constant 0 : i32
    %dma_wait3A_13 = arith.constant 0 : i32
    %dma_wait3A_14 = tpu.memref_slice %arg2[%dma_wait3A_12, %dma_wait3A_13] : memref<40000x32xf32, #tpu.memory_space<hbm>> -> memref<40000x32xf32, #tpu.memory_space<hbm>>
    tpu.wait_indirect_dma semaphore(%arg11 : memref<!tpu.dma_semaphore, #tpu.memory_space<semaphore_mem>>) src(%dma_wait3A_14 : memref<40000x32xf32, #tpu.memory_space<hbm>>) dst(%arg8 : memref<1000x32xf32, #tpu.memory_space<vmem>>)
    %dma_start3A_15 = arith.constant 0 : i32
    %dma_start3A_16 = tpu.memref_slice %arg7[%dma_start3A_15] : memref<20000xi32, #tpu.memory_space<vmem>> -> memref<1000xi32, #tpu.memory_space<vmem>>
    %dma_start3A_17 = arith.constant 0 : i32
    %dma_start3A_18 = arith.constant 0 : i32
    %dma_start3A_19 = tpu.memref_slice %arg10[%dma_start3A_17, %dma_start3A_18] : memref<10000x32xf32, #tpu.memory_space<vmem_shared>> -> memref<10000x32xf32, #tpu.memory_space<vmem_shared>>
    tpu.enqueue_indirect_dma source(%arg8 : memref<1000x32xf32, #tpu.memory_space<vmem>>) target(%dma_start3A_19 : memref<10000x32xf32, #tpu.memory_space<vmem_shared>>) offsets(%dma_start3A_16 : memref<1000xi32, #tpu.memory_space<vmem>>) semaphore(%arg13 : memref<!tpu.dma_semaphore, #tpu.memory_space<semaphore_mem>>) {add = true}
    %dma_start3A_20 = arith.constant 1000 : i32
    %dma_start3A_21 = tpu.memref_slice %arg6[%dma_start3A_20] : memref<20000xi32, #tpu.memory_space<vmem>> -> memref<1000xi32, #tpu.memory_space<vmem>>
    %dma_start3A_22 = arith.constant 0 : i32
    %dma_start3A_23 = arith.constant 0 : i32
    %dma_start3A_24 = tpu.memref_slice %arg2[%dma_start3A_22, %dma_start3A_23] : memref<40000x32xf32, #tpu.memory_space<hbm>> -> memref<40000x32xf32, #tpu.memory_space<hbm>>
    tpu.enqueue_indirect_dma source(%dma_start3A_24 : memref<40000x32xf32, #tpu.memory_space<hbm>>) target(%arg9 : memref<1000x32xf32, #tpu.memory_space<vmem>>) offsets(%dma_start3A_21 : memref<1000xi32, #tpu.memory_space<vmem>>) semaphore(%arg12 : memref<!tpu.dma_semaphore, #tpu.memory_space<semaphore_mem>>)
    %dma_wait3A_25 = arith.constant 1000 : i32
    %dma_wait3A_26 = tpu.memref_slice %arg6[%dma_wait3A_25] : memref<20000xi32, #tpu.memory_space<vmem>> -> memref<1000xi32, #tpu.memory_space<vmem>>
    %dma_wait3A_27 = arith.constant 0 : i32
    %dma_wait3A_28 = arith.constant 0 : i32
    %dma_wait3A_29 = tpu.memref_slice %arg2[%dma_wait3A_27, %dma_wait3A_28] : memref<40000x32xf32, #tpu.memory_space<hbm>> -> memref<40000x32xf32, #tpu.memory_space<hbm>>
    tpu.wait_indirect_dma semaphore(%arg12 : memref<!tpu.dma_semaphore, #tpu.memory_space<semaphore_mem>>) src(%dma_wait3A_29 : memref<40000x32xf32, #tpu.memory_space<hbm>>) dst(%arg9 : memref<1000x32xf32, #tpu.memory_space<vmem>>)
    %dma_wait3A_30 = arith.constant 0 : i32
    %dma_wait3A_31 = tpu.memref_slice %arg7[%dma_wait3A_30] : memref<20000xi32, #tpu.memory_space<vmem>> -> memref<1000xi32, #tpu.memory_space<vmem>>
    %dma_wait3A_32 = arith.constant 0 : i32
    %dma_wait3A_33 = arith.constant 0 : i32
    %dma_wait3A_34 = tpu.memref_slice %arg10[%dma_wait3A_32, %dma_wait3A_33] : memref<10000x32xf32, #tpu.memory_space<vmem_shared>> -> memref<10000x32xf32, #tpu.memory_space<vmem_shared>>
    tpu.wait_indirect_dma semaphore(%arg13 : memref<!tpu.dma_semaphore, #tpu.memory_space<semaphore_mem>>) src(%arg8 : memref<1000x32xf32, #tpu.memory_space<vmem>>) dst(%dma_wait3A_34 : memref<10000x32xf32, #tpu.memory_space<vmem_shared>>)
    %dma_start3A_35 = arith.constant 1000 : i32
    %dma_start3A_36 = tpu.memref_slice %arg7[%dma_start3A_35] : memref<20000xi32, #tpu.memory_space<vmem>> -> memref<1000xi32, #tpu.memory_space<vmem>>
    %dma_start3A_37 = arith.constant 0 : i32
    %dma_start3A_38 = arith.constant 0 : i32
    %dma_start3A_39 = tpu.memref_slice %arg10[%dma_start3A_37, %dma_start3A_38] : memref<10000x32xf32, #tpu.memory_space<vmem_shared>> -> memref<10000x32xf32, #tpu.memory_space<vmem_shared>>
    tpu.enqueue_indirect_dma source(%arg9 : memref<1000x32xf32, #tpu.memory_space<vmem>>) target(%dma_start3A_39 : memref<10000x32xf32, #tpu.memory_space<vmem_shared>>) offsets(%dma_start3A_36 : memref<1000xi32, #tpu.memory_space<vmem>>) semaphore(%arg13 : memref<!tpu.dma_semaphore, #tpu.memory_space<semaphore_mem>>) {add = true}
    %dma_start3A_40 = arith.constant 2000 : i32
    %dma_start3A_41 = tpu.memref_slice %arg6[%dma_start3A_40] : memref<20000xi32, #tpu.memory_space<vmem>> -> memref<1000xi32, #tpu.memory_space<vmem>>
    %dma_start3A_42 = arith.constant 0 : i32
    %dma_start3A_43 = arith.constant 0 : i32
    %dma_start3A_44 = tpu.memref_slice %arg2[%dma_start3A_42, %dma_start3A_43] : memref<40000x32xf32, #tpu.memory_space<hbm>> -> memref<40000x32xf32, #tpu.memory_space<hbm>>
    tpu.enqueue_indirect_dma source(%dma_start3A_44 : memref<40000x32xf32, #tpu.memory_space<hbm>>) target(%arg8 : memref<1000x32xf32, #tpu.memory_space<vmem>>) offsets(%dma_start3A_41 : memref<1000xi32, #tpu.memory_space<vmem>>) semaphore(%arg11 : memref<!tpu.dma_semaphore, #tpu.memory_space<semaphore_mem>>)
    %dma_wait3A_45 = arith.constant 2000 : i32
    %dma_wait3A_46 = tpu.memref_slice %arg6[%dma_wait3A_45] : memref<20000xi32, #tpu.memory_space<vmem>> -> memref<1000xi32, #tpu.memory_space<vmem>>
    %dma_wait3A_47 = arith.constant 0 : i32
    %dma_wait3A_48 = arith.constant 0 : i32
    %dma_wait3A_49 = tpu.memref_slice %arg2[%dma_wait3A_47, %dma_wait3A_48] : memref<40000x32xf32, #tpu.memory_space<hbm>> -> memref<40000x32xf32, #tpu.memory_space<hbm>>
    tpu.wait_indirect_dma semaphore(%arg11 : memref<!tpu.dma_semaphore, #tpu.memory_space<semaphore_mem>>) src(%dma_wait3A_49 : memref<40000x32xf32, #tpu.memory_space<hbm>>) dst(%arg8 : memref<1000x32xf32, #tpu.memory_space<vmem>>)
    %dma_wait3A_50 = arith.constant 1000 : i32
    %dma_wait3A_51 = tpu.memref_slice %arg7[%dma_wait3A_50] : memref<20000xi32, #tpu.memory_space<vmem>> -> memref<1000xi32, #tpu.memory_space<vmem>>
    %dma_wait3A_52 = arith.constant 0 : i32
    %dma_wait3A_53 = arith.constant 0 : i32
    %dma_wait3A_54 = tpu.memref_slice %arg10[%dma_wait3A_52, %dma_wait3A_53] : memref<10000x32xf32, #tpu.memory_space<vmem_shared>> -> memref<10000x32xf32, #tpu.memory_space<vmem_shared>>
    tpu.wait_indirect_dma semaphore(%arg13 : memref<!tpu.dma_semaphore, #tpu.memory_space<semaphore_mem>>) src(%arg9 : memref<1000x32xf32, #tpu.memory_space<vmem>>) dst(%dma_wait3A_54 : memref<10000x32xf32, #tpu.memory_space<vmem_shared>>)
    %dma_start3A_55 = arith.constant 2000 : i32
    %dma_start3A_56 = tpu.memref_slice %arg7[%dma_start3A_55] : memref<20000xi32, #tpu.memory_space<vmem>> -> memref<1000xi32, #tpu.memory_space<vmem>>
    %dma_start3A_57 = arith.constant 0 : i32
    %dma_start3A_58 = arith.constant 0 : i32
    %dma_start3A_59 = tpu.memref_slice %arg10[%dma_start3A_57, %dma_start3A_58] : memref<10000x32xf32, #tpu.memory_space<vmem_shared>> -> memref<10000x32xf32, #tpu.memory_space<vmem_shared>>
    tpu.enqueue_indirect_dma source(%arg8 : memref<1000x32xf32, #tpu.memory_space<vmem>>) target(%dma_start3A_59 : memref<10000x32xf32, #tpu.memory_space<vmem_shared>>) offsets(%dma_start3A_56 : memref<1000xi32, #tpu.memory_space<vmem>>) semaphore(%arg13 : memref<!tpu.dma_semaphore, #tpu.memory_space<semaphore_mem>>) {add = true}
    %dma_start3A_60 = arith.constant 3000 : i32
    %dma_start3A_61 = tpu.memref_slice %arg6[%dma_start3A_60] : memref<20000xi32, #tpu.memory_space<vmem>> -> memref<1000xi32, #tpu.memory_space<vmem>>
    %dma_start3A_62 = arith.constant 0 : i32
    %dma_start3A_63 = arith.constant 0 : i32
    %dma_start3A_64 = tpu.memref_slice %arg2[%dma_start3A_62, %dma_start3A_63] : memref<40000x32xf32, #tpu.memory_space<hbm>> -> memref<40000x32xf32, #tpu.memory_space<hbm>>
    tpu.enqueue_indirect_dma source(%dma_start3A_64 : memref<40000x32xf32, #tpu.memory_space<hbm>>) target(%arg9 : memref<1000x32xf32, #tpu.memory_space<vmem>>) offsets(%dma_start3A_61 : memref<1000xi32, #tpu.memory_space<vmem>>) semaphore(%arg12 : memref<!tpu.dma_semaphore, #tpu.memory_space<semaphore_mem>>)
    %dma_wait3A_65 = arith.constant 3000 : i32
    %dma_wait3A_66 = tpu.memref_slice %arg6[%dma_wait3A_65] : memref<20000xi32, #tpu.memory_space<vmem>> -> memref<1000xi32, #tpu.memory_space<vmem>>
    %dma_wait3A_67 = arith.constant 0 : i32
    %dma_wait3A_68 = arith.constant 0 : i32
    %dma_wait3A_69 = tpu.memref_slice %arg2[%dma_wait3A_67, %dma_wait3A_68] : memref<40000x32xf32, #tpu.memory_space<hbm>> -> memref<40000x32xf32, #tpu.memory_space<hbm>>
    tpu.wait_indirect_dma semaphore(%arg12 : memref<!tpu.dma_semaphore, #tpu.memory_space<semaphore_mem>>) src(%dma_wait3A_69 : memref<40000x32xf32, #tpu.memory_space<hbm>>) dst(%arg9 : memref<1000x32xf32, #tpu.memory_space<vmem>>)
    %dma_wait3A_70 = arith.constant 2000 : i32
    %dma_wait3A_71 = tpu.memref_slice %arg7[%dma_wait3A_70] : memref<20000xi32, #tpu.memory_space<vmem>> -> memref<1000xi32, #tpu.memory_space<vmem>>
    %dma_wait3A_72 = arith.constant 0 : i32
    %dma_wait3A_73 = arith.constant 0 : i32
    %dma_wait3A_74 = tpu.memref_slice %arg10[%dma_wait3A_72, %dma_wait3A_73] : memref<10000x32xf32, #tpu.memory_space<vmem_shared>> -> memref<10000x32xf32, #tpu.memory_space<vmem_shared>>
    tpu.wait_indirect_dma semaphore(%arg13 : memref<!tpu.dma_semaphore, #tpu.memory_space<semaphore_mem>>) src(%arg8 : memref<1000x32xf32, #tpu.memory_space<vmem>>) dst(%dma_wait3A_74 : memref<10000x32xf32, #tpu.memory_space<vmem_shared>>)
    %dma_start3A_75 = arith.constant 3000 : i32
    %dma_start3A_76 = tpu.memref_slice %arg7[%dma_start3A_75] : memref<20000xi32, #tpu.memory_space<vmem>> -> memref<1000xi32, #tpu.memory_space<vmem>>
    %dma_start3A_77 = arith.constant 0 : i32
    %dma_start3A_78 = arith.constant 0 : i32
    %dma_start3A_79 = tpu.memref_slice %arg10[%dma_start3A_77, %dma_start3A_78] : memref<10000x32xf32, #tpu.memory_space<vmem_shared>> -> memref<10000x32xf32, #tpu.memory_space<vmem_shared>>
    tpu.enqueue_indirect_dma source(%arg9 : memref<1000x32xf32, #tpu.memory_space<vmem>>) target(%dma_start3A_79 : memref<10000x32xf32, #tpu.memory_space<vmem_shared>>) offsets(%dma_start3A_76 : memref<1000xi32, #tpu.memory_space<vmem>>) semaphore(%arg13 : memref<!tpu.dma_semaphore, #tpu.memory_space<semaphore_mem>>) {add = true}
    %dma_start3A_80 = arith.constant 4000 : i32
    %dma_start3A_81 = tpu.memref_slice %arg6[%dma_start3A_80] : memref<20000xi32, #tpu.memory_space<vmem>> -> memref<1000xi32, #tpu.memory_space<vmem>>
    %dma_start3A_82 = arith.constant 0 : i32
    %dma_start3A_83 = arith.constant 0 : i32
    %dma_start3A_84 = tpu.memref_slice %arg2[%dma_start3A_82, %dma_start3A_83] : memref<40000x32xf32, #tpu.memory_space<hbm>> -> memref<40000x32xf32, #tpu.memory_space<hbm>>
    tpu.enqueue_indirect_dma source(%dma_start3A_84 : memref<40000x32xf32, #tpu.memory_space<hbm>>) target(%arg8 : memref<1000x32xf32, #tpu.memory_space<vmem>>) offsets(%dma_start3A_81 : memref<1000xi32, #tpu.memory_space<vmem>>) semaphore(%arg11 : memref<!tpu.dma_semaphore, #tpu.memory_space<semaphore_mem>>)
    %dma_wait3A_85 = arith.constant 4000 : i32
    %dma_wait3A_86 = tpu.memref_slice %arg6[%dma_wait3A_85] : memref<20000xi32, #tpu.memory_space<vmem>> -> memref<1000xi32, #tpu.memory_space<vmem>>
    %dma_wait3A_87 = arith.constant 0 : i32
    %dma_wait3A_88 = arith.constant 0 : i32
    %dma_wait3A_89 = tpu.memref_slice %arg2[%dma_wait3A_87, %dma_wait3A_88] : memref<40000x32xf32, #tpu.memory_space<hbm>> -> memref<40000x32xf32, #tpu.memory_space<hbm>>
    tpu.wait_indirect_dma semaphore(%arg11 : memref<!tpu.dma_semaphore, #tpu.memory_space<semaphore_mem>>) src(%dma_wait3A_89 : memref<40000x32xf32, #tpu.memory_space<hbm>>) dst(%arg8 : memref<1000x32xf32, #tpu.memory_space<vmem>>)
    %dma_wait3A_90 = arith.constant 3000 : i32
    %dma_wait3A_91 = tpu.memref_slice %arg7[%dma_wait3A_90] : memref<20000xi32, #tpu.memory_space<vmem>> -> memref<1000xi32, #tpu.memory_space<vmem>>
    %dma_wait3A_92 = arith.constant 0 : i32
    %dma_wait3A_93 = arith.constant 0 : i32
    %dma_wait3A_94 = tpu.memref_slice %arg10[%dma_wait3A_92, %dma_wait3A_93] : memref<10000x32xf32, #tpu.memory_space<vmem_shared>> -> memref<10000x32xf32, #tpu.memory_space<vmem_shared>>
    tpu.wait_indirect_dma semaphore(%arg13 : memref<!tpu.dma_semaphore, #tpu.memory_space<semaphore_mem>>) src(%arg9 : memref<1000x32xf32, #tpu.memory_space<vmem>>) dst(%dma_wait3A_94 : memref<10000x32xf32, #tpu.memory_space<vmem_shared>>)
    %dma_start3A_95 = arith.constant 4000 : i32
    %dma_start3A_96 = tpu.memref_slice %arg7[%dma_start3A_95] : memref<20000xi32, #tpu.memory_space<vmem>> -> memref<1000xi32, #tpu.memory_space<vmem>>
    %dma_start3A_97 = arith.constant 0 : i32
    %dma_start3A_98 = arith.constant 0 : i32
    %dma_start3A_99 = tpu.memref_slice %arg10[%dma_start3A_97, %dma_start3A_98] : memref<10000x32xf32, #tpu.memory_space<vmem_shared>> -> memref<10000x32xf32, #tpu.memory_space<vmem_shared>>
    tpu.enqueue_indirect_dma source(%arg8 : memref<1000x32xf32, #tpu.memory_space<vmem>>) target(%dma_start3A_99 : memref<10000x32xf32, #tpu.memory_space<vmem_shared>>) offsets(%dma_start3A_96 : memref<1000xi32, #tpu.memory_space<vmem>>) semaphore(%arg13 : memref<!tpu.dma_semaphore, #tpu.memory_space<semaphore_mem>>) {add = true}
    %dma_start3A_100 = arith.constant 5000 : i32
    %dma_start3A_101 = tpu.memref_slice %arg6[%dma_start3A_100] : memref<20000xi32, #tpu.memory_space<vmem>> -> memref<1000xi32, #tpu.memory_space<vmem>>
    %dma_start3A_102 = arith.constant 0 : i32
    %dma_start3A_103 = arith.constant 0 : i32
    %dma_start3A_104 = tpu.memref_slice %arg2[%dma_start3A_102, %dma_start3A_103] : memref<40000x32xf32, #tpu.memory_space<hbm>> -> memref<40000x32xf32, #tpu.memory_space<hbm>>
    tpu.enqueue_indirect_dma source(%dma_start3A_104 : memref<40000x32xf32, #tpu.memory_space<hbm>>) target(%arg9 : memref<1000x32xf32, #tpu.memory_space<vmem>>) offsets(%dma_start3A_101 : memref<1000xi32, #tpu.memory_space<vmem>>) semaphore(%arg12 : memref<!tpu.dma_semaphore, #tpu.memory_space<semaphore_mem>>)
    %dma_wait3A_105 = arith.constant 5000 : i32
    %dma_wait3A_106 = tpu.memref_slice %arg6[%dma_wait3A_105] : memref<20000xi32, #tpu.memory_space<vmem>> -> memref<1000xi32, #tpu.memory_space<vmem>>
    %dma_wait3A_107 = arith.constant 0 : i32
    %dma_wait3A_108 = arith.constant 0 : i32
    %dma_wait3A_109 = tpu.memref_slice %arg2[%dma_wait3A_107, %dma_wait3A_108] : memref<40000x32xf32, #tpu.memory_space<hbm>> -> memref<40000x32xf32, #tpu.memory_space<hbm>>
    tpu.wait_indirect_dma semaphore(%arg12 : memref<!tpu.dma_semaphore, #tpu.memory_space<semaphore_mem>>) src(%dma_wait3A_109 : memref<40000x32xf32, #tpu.memory_space<hbm>>) dst(%arg9 : memref<1000x32xf32, #tpu.memory_space<vmem>>)
    %dma_wait3A_110 = arith.constant 4000 : i32
    %dma_wait3A_111 = tpu.memref_slice %arg7[%dma_wait3A_110] : memref<20000xi32, #tpu.memory_space<vmem>> -> memref<1000xi32, #tpu.memory_space<vmem>>
    %dma_wait3A_112 = arith.constant 0 : i32
    %dma_wait3A_113 = arith.constant 0 : i32
    %dma_wait3A_114 = tpu.memref_slice %arg10[%dma_wait3A_112, %dma_wait3A_113] : memref<10000x32xf32, #tpu.memory_space<vmem_shared>> -> memref<10000x32xf32, #tpu.memory_space<vmem_shared>>
    tpu.wait_indirect_dma semaphore(%arg13 : memref<!tpu.dma_semaphore, #tpu.memory_space<semaphore_mem>>) src(%arg8 : memref<1000x32xf32, #tpu.memory_space<vmem>>) dst(%dma_wait3A_114 : memref<10000x32xf32, #tpu.memory_space<vmem_shared>>)
    %dma_start3A_115 = arith.constant 5000 : i32
    %dma_start3A_116 = tpu.memref_slice %arg7[%dma_start3A_115] : memref<20000xi32, #tpu.memory_space<vmem>> -> memref<1000xi32, #tpu.memory_space<vmem>>
    %dma_start3A_117 = arith.constant 0 : i32
    %dma_start3A_118 = arith.constant 0 : i32
    %dma_start3A_119 = tpu.memref_slice %arg10[%dma_start3A_117, %dma_start3A_118] : memref<10000x32xf32, #tpu.memory_space<vmem_shared>> -> memref<10000x32xf32, #tpu.memory_space<vmem_shared>>
    tpu.enqueue_indirect_dma source(%arg9 : memref<1000x32xf32, #tpu.memory_space<vmem>>) target(%dma_start3A_119 : memref<10000x32xf32, #tpu.memory_space<vmem_shared>>) offsets(%dma_start3A_116 : memref<1000xi32, #tpu.memory_space<vmem>>) semaphore(%arg13 : memref<!tpu.dma_semaphore, #tpu.memory_space<semaphore_mem>>) {add = true}
    %dma_start3A_120 = arith.constant 6000 : i32
    %dma_start3A_121 = tpu.memref_slice %arg6[%dma_start3A_120] : memref<20000xi32, #tpu.memory_space<vmem>> -> memref<1000xi32, #tpu.memory_space<vmem>>
    %dma_start3A_122 = arith.constant 0 : i32
    %dma_start3A_123 = arith.constant 0 : i32
    %dma_start3A_124 = tpu.memref_slice %arg2[%dma_start3A_122, %dma_start3A_123] : memref<40000x32xf32, #tpu.memory_space<hbm>> -> memref<40000x32xf32, #tpu.memory_space<hbm>>
    tpu.enqueue_indirect_dma source(%dma_start3A_124 : memref<40000x32xf32, #tpu.memory_space<hbm>>) target(%arg8 : memref<1000x32xf32, #tpu.memory_space<vmem>>) offsets(%dma_start3A_121 : memref<1000xi32, #tpu.memory_space<vmem>>) semaphore(%arg11 : memref<!tpu.dma_semaphore, #tpu.memory_space<semaphore_mem>>)
    %dma_wait3A_125 = arith.constant 6000 : i32
    %dma_wait3A_126 = tpu.memref_slice %arg6[%dma_wait3A_125] : memref<20000xi32, #tpu.memory_space<vmem>> -> memref<1000xi32, #tpu.memory_space<vmem>>
    %dma_wait3A_127 = arith.constant 0 : i32
    %dma_wait3A_128 = arith.constant 0 : i32
    %dma_wait3A_129 = tpu.memref_slice %arg2[%dma_wait3A_127, %dma_wait3A_128] : memref<40000x32xf32, #tpu.memory_space<hbm>> -> memref<40000x32xf32, #tpu.memory_space<hbm>>
    tpu.wait_indirect_dma semaphore(%arg11 : memref<!tpu.dma_semaphore, #tpu.memory_space<semaphore_mem>>) src(%dma_wait3A_129 : memref<40000x32xf32, #tpu.memory_space<hbm>>) dst(%arg8 : memref<1000x32xf32, #tpu.memory_space<vmem>>)
    %dma_wait3A_130 = arith.constant 5000 : i32
    %dma_wait3A_131 = tpu.memref_slice %arg7[%dma_wait3A_130] : memref<20000xi32, #tpu.memory_space<vmem>> -> memref<1000xi32, #tpu.memory_space<vmem>>
    %dma_wait3A_132 = arith.constant 0 : i32
    %dma_wait3A_133 = arith.constant 0 : i32
    %dma_wait3A_134 = tpu.memref_slice %arg10[%dma_wait3A_132, %dma_wait3A_133] : memref<10000x32xf32, #tpu.memory_space<vmem_shared>> -> memref<10000x32xf32, #tpu.memory_space<vmem_shared>>
    tpu.wait_indirect_dma semaphore(%arg13 : memref<!tpu.dma_semaphore, #tpu.memory_space<semaphore_mem>>) src(%arg9 : memref<1000x32xf32, #tpu.memory_space<vmem>>) dst(%dma_wait3A_134 : memref<10000x32xf32, #tpu.memory_space<vmem_shared>>)
    %dma_start3A_135 = arith.constant 6000 : i32
    %dma_start3A_136 = tpu.memref_slice %arg7[%dma_start3A_135] : memref<20000xi32, #tpu.memory_space<vmem>> -> memref<1000xi32, #tpu.memory_space<vmem>>
    %dma_start3A_137 = arith.constant 0 : i32
    %dma_start3A_138 = arith.constant 0 : i32
    %dma_start3A_139 = tpu.memref_slice %arg10[%dma_start3A_137, %dma_start3A_138] : memref<10000x32xf32, #tpu.memory_space<vmem_shared>> -> memref<10000x32xf32, #tpu.memory_space<vmem_shared>>
    tpu.enqueue_indirect_dma source(%arg8 : memref<1000x32xf32, #tpu.memory_space<vmem>>) target(%dma_start3A_139 : memref<10000x32xf32, #tpu.memory_space<vmem_shared>>) offsets(%dma_start3A_136 : memref<1000xi32, #tpu.memory_space<vmem>>) semaphore(%arg13 : memref<!tpu.dma_semaphore, #tpu.memory_space<semaphore_mem>>) {add = true}
    %dma_start3A_140 = arith.constant 7000 : i32
    %dma_start3A_141 = tpu.memref_slice %arg6[%dma_start3A_140] : memref<20000xi32, #tpu.memory_space<vmem>> -> memref<1000xi32, #tpu.memory_space<vmem>>
    %dma_start3A_142 = arith.constant 0 : i32
    %dma_start3A_143 = arith.constant 0 : i32
    %dma_start3A_144 = tpu.memref_slice %arg2[%dma_start3A_142, %dma_start3A_143] : memref<40000x32xf32, #tpu.memory_space<hbm>> -> memref<40000x32xf32, #tpu.memory_space<hbm>>
    tpu.enqueue_indirect_dma source(%dma_start3A_144 : memref<40000x32xf32, #tpu.memory_space<hbm>>) target(%arg9 : memref<1000x32xf32, #tpu.memory_space<vmem>>) offsets(%dma_start3A_141 : memref<1000xi32, #tpu.memory_space<vmem>>) semaphore(%arg12 : memref<!tpu.dma_semaphore, #tpu.memory_space<semaphore_mem>>)
    %dma_wait3A_145 = arith.constant 7000 : i32
    %dma_wait3A_146 = tpu.memref_slice %arg6[%dma_wait3A_145] : memref<20000xi32, #tpu.memory_space<vmem>> -> memref<1000xi32, #tpu.memory_space<vmem>>
    %dma_wait3A_147 = arith.constant 0 : i32
    %dma_wait3A_148 = arith.constant 0 : i32
    %dma_wait3A_149 = tpu.memref_slice %arg2[%dma_wait3A_147, %dma_wait3A_148] : memref<40000x32xf32, #tpu.memory_space<hbm>> -> memref<40000x32xf32, #tpu.memory_space<hbm>>
    tpu.wait_indirect_dma semaphore(%arg12 : memref<!tpu.dma_semaphore, #tpu.memory_space<semaphore_mem>>) src(%dma_wait3A_149 : memref<40000x32xf32, #tpu.memory_space<hbm>>) dst(%arg9 : memref<1000x32xf32, #tpu.memory_space<vmem>>)
    %dma_wait3A_150 = arith.constant 6000 : i32
    %dma_wait3A_151 = tpu.memref_slice %arg7[%dma_wait3A_150] : memref<20000xi32, #tpu.memory_space<vmem>> -> memref<1000xi32, #tpu.memory_space<vmem>>
    %dma_wait3A_152 = arith.constant 0 : i32
    %dma_wait3A_153 = arith.constant 0 : i32
    %dma_wait3A_154 = tpu.memref_slice %arg10[%dma_wait3A_152, %dma_wait3A_153] : memref<10000x32xf32, #tpu.memory_space<vmem_shared>> -> memref<10000x32xf32, #tpu.memory_space<vmem_shared>>
    tpu.wait_indirect_dma semaphore(%arg13 : memref<!tpu.dma_semaphore, #tpu.memory_space<semaphore_mem>>) src(%arg8 : memref<1000x32xf32, #tpu.memory_space<vmem>>) dst(%dma_wait3A_154 : memref<10000x32xf32, #tpu.memory_space<vmem_shared>>)
    %dma_start3A_155 = arith.constant 7000 : i32
    %dma_start3A_156 = tpu.memref_slice %arg7[%dma_start3A_155] : memref<20000xi32, #tpu.memory_space<vmem>> -> memref<1000xi32, #tpu.memory_space<vmem>>
    %dma_start3A_157 = arith.constant 0 : i32
    %dma_start3A_158 = arith.constant 0 : i32
    %dma_start3A_159 = tpu.memref_slice %arg10[%dma_start3A_157, %dma_start3A_158] : memref<10000x32xf32, #tpu.memory_space<vmem_shared>> -> memref<10000x32xf32, #tpu.memory_space<vmem_shared>>
    tpu.enqueue_indirect_dma source(%arg9 : memref<1000x32xf32, #tpu.memory_space<vmem>>) target(%dma_start3A_159 : memref<10000x32xf32, #tpu.memory_space<vmem_shared>>) offsets(%dma_start3A_156 : memref<1000xi32, #tpu.memory_space<vmem>>) semaphore(%arg13 : memref<!tpu.dma_semaphore, #tpu.memory_space<semaphore_mem>>) {add = true}
    %dma_start3A_160 = arith.constant 8000 : i32
    %dma_start3A_161 = tpu.memref_slice %arg6[%dma_start3A_160] : memref<20000xi32, #tpu.memory_space<vmem>> -> memref<1000xi32, #tpu.memory_space<vmem>>
    %dma_start3A_162 = arith.constant 0 : i32
    %dma_start3A_163 = arith.constant 0 : i32
    %dma_start3A_164 = tpu.memref_slice %arg2[%dma_start3A_162, %dma_start3A_163] : memref<40000x32xf32, #tpu.memory_space<hbm>> -> memref<40000x32xf32, #tpu.memory_space<hbm>>
    tpu.enqueue_indirect_dma source(%dma_start3A_164 : memref<40000x32xf32, #tpu.memory_space<hbm>>) target(%arg8 : memref<1000x32xf32, #tpu.memory_space<vmem>>) offsets(%dma_start3A_161 : memref<1000xi32, #tpu.memory_space<vmem>>) semaphore(%arg11 : memref<!tpu.dma_semaphore, #tpu.memory_space<semaphore_mem>>)
    %dma_wait3A_165 = arith.constant 8000 : i32
    %dma_wait3A_166 = tpu.memref_slice %arg6[%dma_wait3A_165] : memref<20000xi32, #tpu.memory_space<vmem>> -> memref<1000xi32, #tpu.memory_space<vmem>>
    %dma_wait3A_167 = arith.constant 0 : i32
    %dma_wait3A_168 = arith.constant 0 : i32
    %dma_wait3A_169 = tpu.memref_slice %arg2[%dma_wait3A_167, %dma_wait3A_168] : memref<40000x32xf32, #tpu.memory_space<hbm>> -> memref<40000x32xf32, #tpu.memory_space<hbm>>
    tpu.wait_indirect_dma semaphore(%arg11 : memref<!tpu.dma_semaphore, #tpu.memory_space<semaphore_mem>>) src(%dma_wait3A_169 : memref<40000x32xf32, #tpu.memory_space<hbm>>) dst(%arg8 : memref<1000x32xf32, #tpu.memory_space<vmem>>)
    %dma_wait3A_170 = arith.constant 7000 : i32
    %dma_wait3A_171 = tpu.memref_slice %arg7[%dma_wait3A_170] : memref<20000xi32, #tpu.memory_space<vmem>> -> memref<1000xi32, #tpu.memory_space<vmem>>
    %dma_wait3A_172 = arith.constant 0 : i32
    %dma_wait3A_173 = arith.constant 0 : i32
    %dma_wait3A_174 = tpu.memref_slice %arg10[%dma_wait3A_172, %dma_wait3A_173] : memref<10000x32xf32, #tpu.memory_space<vmem_shared>> -> memref<10000x32xf32, #tpu.memory_space<vmem_shared>>
    tpu.wait_indirect_dma semaphore(%arg13 : memref<!tpu.dma_semaphore, #tpu.memory_space<semaphore_mem>>) src(%arg9 : memref<1000x32xf32, #tpu.memory_space<vmem>>) dst(%dma_wait3A_174 : memref<10000x32xf32, #tpu.memory_space<vmem_shared>>)
    %dma_start3A_175 = arith.constant 8000 : i32
    %dma_start3A_176 = tpu.memref_slice %arg7[%dma_start3A_175] : memref<20000xi32, #tpu.memory_space<vmem>> -> memref<1000xi32, #tpu.memory_space<vmem>>
    %dma_start3A_177 = arith.constant 0 : i32
    %dma_start3A_178 = arith.constant 0 : i32
    %dma_start3A_179 = tpu.memref_slice %arg10[%dma_start3A_177, %dma_start3A_178] : memref<10000x32xf32, #tpu.memory_space<vmem_shared>> -> memref<10000x32xf32, #tpu.memory_space<vmem_shared>>
    tpu.enqueue_indirect_dma source(%arg8 : memref<1000x32xf32, #tpu.memory_space<vmem>>) target(%dma_start3A_179 : memref<10000x32xf32, #tpu.memory_space<vmem_shared>>) offsets(%dma_start3A_176 : memref<1000xi32, #tpu.memory_space<vmem>>) semaphore(%arg13 : memref<!tpu.dma_semaphore, #tpu.memory_space<semaphore_mem>>) {add = true}
    %dma_start3A_180 = arith.constant 9000 : i32
    %dma_start3A_181 = tpu.memref_slice %arg6[%dma_start3A_180] : memref<20000xi32, #tpu.memory_space<vmem>> -> memref<1000xi32, #tpu.memory_space<vmem>>
    %dma_start3A_182 = arith.constant 0 : i32
    %dma_start3A_183 = arith.constant 0 : i32
    %dma_start3A_184 = tpu.memref_slice %arg2[%dma_start3A_182, %dma_start3A_183] : memref<40000x32xf32, #tpu.memory_space<hbm>> -> memref<40000x32xf32, #tpu.memory_space<hbm>>
    tpu.enqueue_indirect_dma source(%dma_start3A_184 : memref<40000x32xf32, #tpu.memory_space<hbm>>) target(%arg9 : memref<1000x32xf32, #tpu.memory_space<vmem>>) offsets(%dma_start3A_181 : memref<1000xi32, #tpu.memory_space<vmem>>) semaphore(%arg12 : memref<!tpu.dma_semaphore, #tpu.memory_space<semaphore_mem>>)
    %dma_wait3A_185 = arith.constant 9000 : i32
    %dma_wait3A_186 = tpu.memref_slice %arg6[%dma_wait3A_185] : memref<20000xi32, #tpu.memory_space<vmem>> -> memref<1000xi32, #tpu.memory_space<vmem>>
    %dma_wait3A_187 = arith.constant 0 : i32
    %dma_wait3A_188 = arith.constant 0 : i32
    %dma_wait3A_189 = tpu.memref_slice %arg2[%dma_wait3A_187, %dma_wait3A_188] : memref<40000x32xf32, #tpu.memory_space<hbm>> -> memref<40000x32xf32, #tpu.memory_space<hbm>>
    tpu.wait_indirect_dma semaphore(%arg12 : memref<!tpu.dma_semaphore, #tpu.memory_space<semaphore_mem>>) src(%dma_wait3A_189 : memref<40000x32xf32, #tpu.memory_space<hbm>>) dst(%arg9 : memref<1000x32xf32, #tpu.memory_space<vmem>>)
    %dma_wait3A_190 = arith.constant 8000 : i32
    %dma_wait3A_191 = tpu.memref_slice %arg7[%dma_wait3A_190] : memref<20000xi32, #tpu.memory_space<vmem>> -> memref<1000xi32, #tpu.memory_space<vmem>>
    %dma_wait3A_192 = arith.constant 0 : i32
    %dma_wait3A_193 = arith.constant 0 : i32
    %dma_wait3A_194 = tpu.memref_slice %arg10[%dma_wait3A_192, %dma_wait3A_193] : memref<10000x32xf32, #tpu.memory_space<vmem_shared>> -> memref<10000x32xf32, #tpu.memory_space<vmem_shared>>
    tpu.wait_indirect_dma semaphore(%arg13 : memref<!tpu.dma_semaphore, #tpu.memory_space<semaphore_mem>>) src(%arg8 : memref<1000x32xf32, #tpu.memory_space<vmem>>) dst(%dma_wait3A_194 : memref<10000x32xf32, #tpu.memory_space<vmem_shared>>)
    %dma_start3A_195 = arith.constant 9000 : i32
    %dma_start3A_196 = tpu.memref_slice %arg7[%dma_start3A_195] : memref<20000xi32, #tpu.memory_space<vmem>> -> memref<1000xi32, #tpu.memory_space<vmem>>
    %dma_start3A_197 = arith.constant 0 : i32
    %dma_start3A_198 = arith.constant 0 : i32
    %dma_start3A_199 = tpu.memref_slice %arg10[%dma_start3A_197, %dma_start3A_198] : memref<10000x32xf32, #tpu.memory_space<vmem_shared>> -> memref<10000x32xf32, #tpu.memory_space<vmem_shared>>
    tpu.enqueue_indirect_dma source(%arg9 : memref<1000x32xf32, #tpu.memory_space<vmem>>) target(%dma_start3A_199 : memref<10000x32xf32, #tpu.memory_space<vmem_shared>>) offsets(%dma_start3A_196 : memref<1000xi32, #tpu.memory_space<vmem>>) semaphore(%arg13 : memref<!tpu.dma_semaphore, #tpu.memory_space<semaphore_mem>>) {add = true}
    %dma_start3A_200 = arith.constant 10000 : i32
    %dma_start3A_201 = tpu.memref_slice %arg6[%dma_start3A_200] : memref<20000xi32, #tpu.memory_space<vmem>> -> memref<1000xi32, #tpu.memory_space<vmem>>
    %dma_start3A_202 = arith.constant 0 : i32
    %dma_start3A_203 = arith.constant 0 : i32
    %dma_start3A_204 = tpu.memref_slice %arg2[%dma_start3A_202, %dma_start3A_203] : memref<40000x32xf32, #tpu.memory_space<hbm>> -> memref<40000x32xf32, #tpu.memory_space<hbm>>
    tpu.enqueue_indirect_dma source(%dma_start3A_204 : memref<40000x32xf32, #tpu.memory_space<hbm>>) target(%arg8 : memref<1000x32xf32, #tpu.memory_space<vmem>>) offsets(%dma_start3A_201 : memref<1000xi32, #tpu.memory_space<vmem>>) semaphore(%arg11 : memref<!tpu.dma_semaphore, #tpu.memory_space<semaphore_mem>>)
    %dma_wait3A_205 = arith.constant 10000 : i32
    %dma_wait3A_206 = tpu.memref_slice %arg6[%dma_wait3A_205] : memref<20000xi32, #tpu.memory_space<vmem>> -> memref<1000xi32, #tpu.memory_space<vmem>>
    %dma_wait3A_207 = arith.constant 0 : i32
    %dma_wait3A_208 = arith.constant 0 : i32
    %dma_wait3A_209 = tpu.memref_slice %arg2[%dma_wait3A_207, %dma_wait3A_208] : memref<40000x32xf32, #tpu.memory_space<hbm>> -> memref<40000x32xf32, #tpu.memory_space<hbm>>
    tpu.wait_indirect_dma semaphore(%arg11 : memref<!tpu.dma_semaphore, #tpu.memory_space<semaphore_mem>>) src(%dma_wait3A_209 : memref<40000x32xf32, #tpu.memory_space<hbm>>) dst(%arg8 : memref<1000x32xf32, #tpu.memory_space<vmem>>)
    %dma_wait3A_210 = arith.constant 9000 : i32
    %dma_wait3A_211 = tpu.memref_slice %arg7[%dma_wait3A_210] : memref<20000xi32, #tpu.memory_space<vmem>> -> memref<1000xi32, #tpu.memory_space<vmem>>
    %dma_wait3A_212 = arith.constant 0 : i32
    %dma_wait3A_213 = arith.constant 0 : i32
    %dma_wait3A_214 = tpu.memref_slice %arg10[%dma_wait3A_212, %dma_wait3A_213] : memref<10000x32xf32, #tpu.memory_space<vmem_shared>> -> memref<10000x32xf32, #tpu.memory_space<vmem_shared>>
    tpu.wait_indirect_dma semaphore(%arg13 : memref<!tpu.dma_semaphore, #tpu.memory_space<semaphore_mem>>) src(%arg9 : memref<1000x32xf32, #tpu.memory_space<vmem>>) dst(%dma_wait3A_214 : memref<10000x32xf32, #tpu.memory_space<vmem_shared>>)
    %dma_start3A_215 = arith.constant 10000 : i32
    %dma_start3A_216 = tpu.memref_slice %arg7[%dma_start3A_215] : memref<20000xi32, #tpu.memory_space<vmem>> -> memref<1000xi32, #tpu.memory_space<vmem>>
    %dma_start3A_217 = arith.constant 0 : i32
    %dma_start3A_218 = arith.constant 0 : i32
    %dma_start3A_219 = tpu.memref_slice %arg10[%dma_start3A_217, %dma_start3A_218] : memref<10000x32xf32, #tpu.memory_space<vmem_shared>> -> memref<10000x32xf32, #tpu.memory_space<vmem_shared>>
    tpu.enqueue_indirect_dma source(%arg8 : memref<1000x32xf32, #tpu.memory_space<vmem>>) target(%dma_start3A_219 : memref<10000x32xf32, #tpu.memory_space<vmem_shared>>) offsets(%dma_start3A_216 : memref<1000xi32, #tpu.memory_space<vmem>>) semaphore(%arg13 : memref<!tpu.dma_semaphore, #tpu.memory_space<semaphore_mem>>) {add = true}
    %dma_start3A_220 = arith.constant 11000 : i32
    %dma_start3A_221 = tpu.memref_slice %arg6[%dma_start3A_220] : memref<20000xi32, #tpu.memory_space<vmem>> -> memref<1000xi32, #tpu.memory_space<vmem>>
    %dma_start3A_222 = arith.constant 0 : i32
    %dma_start3A_223 = arith.constant 0 : i32
    %dma_start3A_224 = tpu.memref_slice %arg2[%dma_start3A_222, %dma_start3A_223] : memref<40000x32xf32, #tpu.memory_space<hbm>> -> memref<40000x32xf32, #tpu.memory_space<hbm>>
    tpu.enqueue_indirect_dma source(%dma_start3A_224 : memref<40000x32xf32, #tpu.memory_space<hbm>>) target(%arg9 : memref<1000x32xf32, #tpu.memory_space<vmem>>) offsets(%dma_start3A_221 : memref<1000xi32, #tpu.memory_space<vmem>>) semaphore(%arg12 : memref<!tpu.dma_semaphore, #tpu.memory_space<semaphore_mem>>)
    %dma_wait3A_225 = arith.constant 11000 : i32
    %dma_wait3A_226 = tpu.memref_slice %arg6[%dma_wait3A_225] : memref<20000xi32, #tpu.memory_space<vmem>> -> memref<1000xi32, #tpu.memory_space<vmem>>
    %dma_wait3A_227 = arith.constant 0 : i32
    %dma_wait3A_228 = arith.constant 0 : i32
    %dma_wait3A_229 = tpu.memref_slice %arg2[%dma_wait3A_227, %dma_wait3A_228] : memref<40000x32xf32, #tpu.memory_space<hbm>> -> memref<40000x32xf32, #tpu.memory_space<hbm>>
    tpu.wait_indirect_dma semaphore(%arg12 : memref<!tpu.dma_semaphore, #tpu.memory_space<semaphore_mem>>) src(%dma_wait3A_229 : memref<40000x32xf32, #tpu.memory_space<hbm>>) dst(%arg9 : memref<1000x32xf32, #tpu.memory_space<vmem>>)
    %dma_wait3A_230 = arith.constant 10000 : i32
    %dma_wait3A_231 = tpu.memref_slice %arg7[%dma_wait3A_230] : memref<20000xi32, #tpu.memory_space<vmem>> -> memref<1000xi32, #tpu.memory_space<vmem>>
    %dma_wait3A_232 = arith.constant 0 : i32
    %dma_wait3A_233 = arith.constant 0 : i32
    %dma_wait3A_234 = tpu.memref_slice %arg10[%dma_wait3A_232, %dma_wait3A_233] : memref<10000x32xf32, #tpu.memory_space<vmem_shared>> -> memref<10000x32xf32, #tpu.memory_space<vmem_shared>>
    tpu.wait_indirect_dma semaphore(%arg13 : memref<!tpu.dma_semaphore, #tpu.memory_space<semaphore_mem>>) src(%arg8 : memref<1000x32xf32, #tpu.memory_space<vmem>>) dst(%dma_wait3A_234 : memref<10000x32xf32, #tpu.memory_space<vmem_shared>>)
    %dma_start3A_235 = arith.constant 11000 : i32
    %dma_start3A_236 = tpu.memref_slice %arg7[%dma_start3A_235] : memref<20000xi32, #tpu.memory_space<vmem>> -> memref<1000xi32, #tpu.memory_space<vmem>>
    %dma_start3A_237 = arith.constant 0 : i32
    %dma_start3A_238 = arith.constant 0 : i32
    %dma_start3A_239 = tpu.memref_slice %arg10[%dma_start3A_237, %dma_start3A_238] : memref<10000x32xf32, #tpu.memory_space<vmem_shared>> -> memref<10000x32xf32, #tpu.memory_space<vmem_shared>>
    tpu.enqueue_indirect_dma source(%arg9 : memref<1000x32xf32, #tpu.memory_space<vmem>>) target(%dma_start3A_239 : memref<10000x32xf32, #tpu.memory_space<vmem_shared>>) offsets(%dma_start3A_236 : memref<1000xi32, #tpu.memory_space<vmem>>) semaphore(%arg13 : memref<!tpu.dma_semaphore, #tpu.memory_space<semaphore_mem>>) {add = true}
    %dma_start3A_240 = arith.constant 12000 : i32
    %dma_start3A_241 = tpu.memref_slice %arg6[%dma_start3A_240] : memref<20000xi32, #tpu.memory_space<vmem>> -> memref<1000xi32, #tpu.memory_space<vmem>>
    %dma_start3A_242 = arith.constant 0 : i32
    %dma_start3A_243 = arith.constant 0 : i32
    %dma_start3A_244 = tpu.memref_slice %arg2[%dma_start3A_242, %dma_start3A_243] : memref<40000x32xf32, #tpu.memory_space<hbm>> -> memref<40000x32xf32, #tpu.memory_space<hbm>>
    tpu.enqueue_indirect_dma source(%dma_start3A_244 : memref<40000x32xf32, #tpu.memory_space<hbm>>) target(%arg8 : memref<1000x32xf32, #tpu.memory_space<vmem>>) offsets(%dma_start3A_241 : memref<1000xi32, #tpu.memory_space<vmem>>) semaphore(%arg11 : memref<!tpu.dma_semaphore, #tpu.memory_space<semaphore_mem>>)
    %dma_wait3A_245 = arith.constant 12000 : i32
    %dma_wait3A_246 = tpu.memref_slice %arg6[%dma_wait3A_245] : memref<20000xi32, #tpu.memory_space<vmem>> -> memref<1000xi32, #tpu.memory_space<vmem>>
    %dma_wait3A_247 = arith.constant 0 : i32
    %dma_wait3A_248 = arith.constant 0 : i32
    %dma_wait3A_249 = tpu.memref_slice %arg2[%dma_wait3A_247, %dma_wait3A_248] : memref<40000x32xf32, #tpu.memory_space<hbm>> -> memref<40000x32xf32, #tpu.memory_space<hbm>>
    tpu.wait_indirect_dma semaphore(%arg11 : memref<!tpu.dma_semaphore, #tpu.memory_space<semaphore_mem>>) src(%dma_wait3A_249 : memref<40000x32xf32, #tpu.memory_space<hbm>>) dst(%arg8 : memref<1000x32xf32, #tpu.memory_space<vmem>>)
    %dma_wait3A_250 = arith.constant 11000 : i32
    %dma_wait3A_251 = tpu.memref_slice %arg7[%dma_wait3A_250] : memref<20000xi32, #tpu.memory_space<vmem>> -> memref<1000xi32, #tpu.memory_space<vmem>>
    %dma_wait3A_252 = arith.constant 0 : i32
    %dma_wait3A_253 = arith.constant 0 : i32
    %dma_wait3A_254 = tpu.memref_slice %arg10[%dma_wait3A_252, %dma_wait3A_253] : memref<10000x32xf32, #tpu.memory_space<vmem_shared>> -> memref<10000x32xf32, #tpu.memory_space<vmem_shared>>
    tpu.wait_indirect_dma semaphore(%arg13 : memref<!tpu.dma_semaphore, #tpu.memory_space<semaphore_mem>>) src(%arg9 : memref<1000x32xf32, #tpu.memory_space<vmem>>) dst(%dma_wait3A_254 : memref<10000x32xf32, #tpu.memory_space<vmem_shared>>)
    %dma_start3A_255 = arith.constant 12000 : i32
    %dma_start3A_256 = tpu.memref_slice %arg7[%dma_start3A_255] : memref<20000xi32, #tpu.memory_space<vmem>> -> memref<1000xi32, #tpu.memory_space<vmem>>
    %dma_start3A_257 = arith.constant 0 : i32
    %dma_start3A_258 = arith.constant 0 : i32
    %dma_start3A_259 = tpu.memref_slice %arg10[%dma_start3A_257, %dma_start3A_258] : memref<10000x32xf32, #tpu.memory_space<vmem_shared>> -> memref<10000x32xf32, #tpu.memory_space<vmem_shared>>
    tpu.enqueue_indirect_dma source(%arg8 : memref<1000x32xf32, #tpu.memory_space<vmem>>) target(%dma_start3A_259 : memref<10000x32xf32, #tpu.memory_space<vmem_shared>>) offsets(%dma_start3A_256 : memref<1000xi32, #tpu.memory_space<vmem>>) semaphore(%arg13 : memref<!tpu.dma_semaphore, #tpu.memory_space<semaphore_mem>>) {add = true}
    %dma_start3A_260 = arith.constant 13000 : i32
    %dma_start3A_261 = tpu.memref_slice %arg6[%dma_start3A_260] : memref<20000xi32, #tpu.memory_space<vmem>> -> memref<1000xi32, #tpu.memory_space<vmem>>
    %dma_start3A_262 = arith.constant 0 : i32
    %dma_start3A_263 = arith.constant 0 : i32
    %dma_start3A_264 = tpu.memref_slice %arg2[%dma_start3A_262, %dma_start3A_263] : memref<40000x32xf32, #tpu.memory_space<hbm>> -> memref<40000x32xf32, #tpu.memory_space<hbm>>
    tpu.enqueue_indirect_dma source(%dma_start3A_264 : memref<40000x32xf32, #tpu.memory_space<hbm>>) target(%arg9 : memref<1000x32xf32, #tpu.memory_space<vmem>>) offsets(%dma_start3A_261 : memref<1000xi32, #tpu.memory_space<vmem>>) semaphore(%arg12 : memref<!tpu.dma_semaphore, #tpu.memory_space<semaphore_mem>>)
    %dma_wait3A_265 = arith.constant 13000 : i32
    %dma_wait3A_266 = tpu.memref_slice %arg6[%dma_wait3A_265] : memref<20000xi32, #tpu.memory_space<vmem>> -> memref<1000xi32, #tpu.memory_space<vmem>>
    %dma_wait3A_267 = arith.constant 0 : i32
    %dma_wait3A_268 = arith.constant 0 : i32
    %dma_wait3A_269 = tpu.memref_slice %arg2[%dma_wait3A_267, %dma_wait3A_268] : memref<40000x32xf32, #tpu.memory_space<hbm>> -> memref<40000x32xf32, #tpu.memory_space<hbm>>
    tpu.wait_indirect_dma semaphore(%arg12 : memref<!tpu.dma_semaphore, #tpu.memory_space<semaphore_mem>>) src(%dma_wait3A_269 : memref<40000x32xf32, #tpu.memory_space<hbm>>) dst(%arg9 : memref<1000x32xf32, #tpu.memory_space<vmem>>)
    %dma_wait3A_270 = arith.constant 12000 : i32
    %dma_wait3A_271 = tpu.memref_slice %arg7[%dma_wait3A_270] : memref<20000xi32, #tpu.memory_space<vmem>> -> memref<1000xi32, #tpu.memory_space<vmem>>
    %dma_wait3A_272 = arith.constant 0 : i32
    %dma_wait3A_273 = arith.constant 0 : i32
    %dma_wait3A_274 = tpu.memref_slice %arg10[%dma_wait3A_272, %dma_wait3A_273] : memref<10000x32xf32, #tpu.memory_space<vmem_shared>> -> memref<10000x32xf32, #tpu.memory_space<vmem_shared>>
    tpu.wait_indirect_dma semaphore(%arg13 : memref<!tpu.dma_semaphore, #tpu.memory_space<semaphore_mem>>) src(%arg8 : memref<1000x32xf32, #tpu.memory_space<vmem>>) dst(%dma_wait3A_274 : memref<10000x32xf32, #tpu.memory_space<vmem_shared>>)
    %dma_start3A_275 = arith.constant 13000 : i32
    %dma_start3A_276 = tpu.memref_slice %arg7[%dma_start3A_275] : memref<20000xi32, #tpu.memory_space<vmem>> -> memref<1000xi32, #tpu.memory_space<vmem>>
    %dma_start3A_277 = arith.constant 0 : i32
    %dma_start3A_278 = arith.constant 0 : i32
    %dma_start3A_279 = tpu.memref_slice %arg10[%dma_start3A_277, %dma_start3A_278] : memref<10000x32xf32, #tpu.memory_space<vmem_shared>> -> memref<10000x32xf32, #tpu.memory_space<vmem_shared>>
    tpu.enqueue_indirect_dma source(%arg9 : memref<1000x32xf32, #tpu.memory_space<vmem>>) target(%dma_start3A_279 : memref<10000x32xf32, #tpu.memory_space<vmem_shared>>) offsets(%dma_start3A_276 : memref<1000xi32, #tpu.memory_space<vmem>>) semaphore(%arg13 : memref<!tpu.dma_semaphore, #tpu.memory_space<semaphore_mem>>) {add = true}
    %dma_start3A_280 = arith.constant 14000 : i32
    %dma_start3A_281 = tpu.memref_slice %arg6[%dma_start3A_280] : memref<20000xi32, #tpu.memory_space<vmem>> -> memref<1000xi32, #tpu.memory_space<vmem>>
    %dma_start3A_282 = arith.constant 0 : i32
    %dma_start3A_283 = arith.constant 0 : i32
    %dma_start3A_284 = tpu.memref_slice %arg2[%dma_start3A_282, %dma_start3A_283] : memref<40000x32xf32, #tpu.memory_space<hbm>> -> memref<40000x32xf32, #tpu.memory_space<hbm>>
    tpu.enqueue_indirect_dma source(%dma_start3A_284 : memref<40000x32xf32, #tpu.memory_space<hbm>>) target(%arg8 : memref<1000x32xf32, #tpu.memory_space<vmem>>) offsets(%dma_start3A_281 : memref<1000xi32, #tpu.memory_space<vmem>>) semaphore(%arg11 : memref<!tpu.dma_semaphore, #tpu.memory_space<semaphore_mem>>)
    %dma_wait3A_285 = arith.constant 14000 : i32
    %dma_wait3A_286 = tpu.memref_slice %arg6[%dma_wait3A_285] : memref<20000xi32, #tpu.memory_space<vmem>> -> memref<1000xi32, #tpu.memory_space<vmem>>
    %dma_wait3A_287 = arith.constant 0 : i32
    %dma_wait3A_288 = arith.constant 0 : i32
    %dma_wait3A_289 = tpu.memref_slice %arg2[%dma_wait3A_287, %dma_wait3A_288] : memref<40000x32xf32, #tpu.memory_space<hbm>> -> memref<40000x32xf32, #tpu.memory_space<hbm>>
    tpu.wait_indirect_dma semaphore(%arg11 : memref<!tpu.dma_semaphore, #tpu.memory_space<semaphore_mem>>) src(%dma_wait3A_289 : memref<40000x32xf32, #tpu.memory_space<hbm>>) dst(%arg8 : memref<1000x32xf32, #tpu.memory_space<vmem>>)
    %dma_wait3A_290 = arith.constant 13000 : i32
    %dma_wait3A_291 = tpu.memref_slice %arg7[%dma_wait3A_290] : memref<20000xi32, #tpu.memory_space<vmem>> -> memref<1000xi32, #tpu.memory_space<vmem>>
    %dma_wait3A_292 = arith.constant 0 : i32
    %dma_wait3A_293 = arith.constant 0 : i32
    %dma_wait3A_294 = tpu.memref_slice %arg10[%dma_wait3A_292, %dma_wait3A_293] : memref<10000x32xf32, #tpu.memory_space<vmem_shared>> -> memref<10000x32xf32, #tpu.memory_space<vmem_shared>>
    tpu.wait_indirect_dma semaphore(%arg13 : memref<!tpu.dma_semaphore, #tpu.memory_space<semaphore_mem>>) src(%arg9 : memref<1000x32xf32, #tpu.memory_space<vmem>>) dst(%dma_wait3A_294 : memref<10000x32xf32, #tpu.memory_space<vmem_shared>>)
    %dma_start3A_295 = arith.constant 14000 : i32
    %dma_start3A_296 = tpu.memref_slice %arg7[%dma_start3A_295] : memref<20000xi32, #tpu.memory_space<vmem>> -> memref<1000xi32, #tpu.memory_space<vmem>>
    %dma_start3A_297 = arith.constant 0 : i32
    %dma_start3A_298 = arith.constant 0 : i32
    %dma_start3A_299 = tpu.memref_slice %arg10[%dma_start3A_297, %dma_start3A_298] : memref<10000x32xf32, #tpu.memory_space<vmem_shared>> -> memref<10000x32xf32, #tpu.memory_space<vmem_shared>>
    tpu.enqueue_indirect_dma source(%arg8 : memref<1000x32xf32, #tpu.memory_space<vmem>>) target(%dma_start3A_299 : memref<10000x32xf32, #tpu.memory_space<vmem_shared>>) offsets(%dma_start3A_296 : memref<1000xi32, #tpu.memory_space<vmem>>) semaphore(%arg13 : memref<!tpu.dma_semaphore, #tpu.memory_space<semaphore_mem>>) {add = true}
    %dma_start3A_300 = arith.constant 15000 : i32
    %dma_start3A_301 = tpu.memref_slice %arg6[%dma_start3A_300] : memref<20000xi32, #tpu.memory_space<vmem>> -> memref<1000xi32, #tpu.memory_space<vmem>>
    %dma_start3A_302 = arith.constant 0 : i32
    %dma_start3A_303 = arith.constant 0 : i32
    %dma_start3A_304 = tpu.memref_slice %arg2[%dma_start3A_302, %dma_start3A_303] : memref<40000x32xf32, #tpu.memory_space<hbm>> -> memref<40000x32xf32, #tpu.memory_space<hbm>>
    tpu.enqueue_indirect_dma source(%dma_start3A_304 : memref<40000x32xf32, #tpu.memory_space<hbm>>) target(%arg9 : memref<1000x32xf32, #tpu.memory_space<vmem>>) offsets(%dma_start3A_301 : memref<1000xi32, #tpu.memory_space<vmem>>) semaphore(%arg12 : memref<!tpu.dma_semaphore, #tpu.memory_space<semaphore_mem>>)
    %dma_wait3A_305 = arith.constant 15000 : i32
    %dma_wait3A_306 = tpu.memref_slice %arg6[%dma_wait3A_305] : memref<20000xi32, #tpu.memory_space<vmem>> -> memref<1000xi32, #tpu.memory_space<vmem>>
    %dma_wait3A_307 = arith.constant 0 : i32
    %dma_wait3A_308 = arith.constant 0 : i32
    %dma_wait3A_309 = tpu.memref_slice %arg2[%dma_wait3A_307, %dma_wait3A_308] : memref<40000x32xf32, #tpu.memory_space<hbm>> -> memref<40000x32xf32, #tpu.memory_space<hbm>>
    tpu.wait_indirect_dma semaphore(%arg12 : memref<!tpu.dma_semaphore, #tpu.memory_space<semaphore_mem>>) src(%dma_wait3A_309 : memref<40000x32xf32, #tpu.memory_space<hbm>>) dst(%arg9 : memref<1000x32xf32, #tpu.memory_space<vmem>>)
    %dma_wait3A_310 = arith.constant 14000 : i32
    %dma_wait3A_311 = tpu.memref_slice %arg7[%dma_wait3A_310] : memref<20000xi32, #tpu.memory_space<vmem>> -> memref<1000xi32, #tpu.memory_space<vmem>>
    %dma_wait3A_312 = arith.constant 0 : i32
    %dma_wait3A_313 = arith.constant 0 : i32
    %dma_wait3A_314 = tpu.memref_slice %arg10[%dma_wait3A_312, %dma_wait3A_313] : memref<10000x32xf32, #tpu.memory_space<vmem_shared>> -> memref<10000x32xf32, #tpu.memory_space<vmem_shared>>
    tpu.wait_indirect_dma semaphore(%arg13 : memref<!tpu.dma_semaphore, #tpu.memory_space<semaphore_mem>>) src(%arg8 : memref<1000x32xf32, #tpu.memory_space<vmem>>) dst(%dma_wait3A_314 : memref<10000x32xf32, #tpu.memory_space<vmem_shared>>)
    %dma_start3A_315 = arith.constant 15000 : i32
    %dma_start3A_316 = tpu.memref_slice %arg7[%dma_start3A_315] : memref<20000xi32, #tpu.memory_space<vmem>> -> memref<1000xi32, #tpu.memory_space<vmem>>
    %dma_start3A_317 = arith.constant 0 : i32
    %dma_start3A_318 = arith.constant 0 : i32
    %dma_start3A_319 = tpu.memref_slice %arg10[%dma_start3A_317, %dma_start3A_318] : memref<10000x32xf32, #tpu.memory_space<vmem_shared>> -> memref<10000x32xf32, #tpu.memory_space<vmem_shared>>
    tpu.enqueue_indirect_dma source(%arg9 : memref<1000x32xf32, #tpu.memory_space<vmem>>) target(%dma_start3A_319 : memref<10000x32xf32, #tpu.memory_space<vmem_shared>>) offsets(%dma_start3A_316 : memref<1000xi32, #tpu.memory_space<vmem>>) semaphore(%arg13 : memref<!tpu.dma_semaphore, #tpu.memory_space<semaphore_mem>>) {add = true}
    %dma_start3A_320 = arith.constant 16000 : i32
    %dma_start3A_321 = tpu.memref_slice %arg6[%dma_start3A_320] : memref<20000xi32, #tpu.memory_space<vmem>> -> memref<1000xi32, #tpu.memory_space<vmem>>
    %dma_start3A_322 = arith.constant 0 : i32
    %dma_start3A_323 = arith.constant 0 : i32
    %dma_start3A_324 = tpu.memref_slice %arg2[%dma_start3A_322, %dma_start3A_323] : memref<40000x32xf32, #tpu.memory_space<hbm>> -> memref<40000x32xf32, #tpu.memory_space<hbm>>
    tpu.enqueue_indirect_dma source(%dma_start3A_324 : memref<40000x32xf32, #tpu.memory_space<hbm>>) target(%arg8 : memref<1000x32xf32, #tpu.memory_space<vmem>>) offsets(%dma_start3A_321 : memref<1000xi32, #tpu.memory_space<vmem>>) semaphore(%arg11 : memref<!tpu.dma_semaphore, #tpu.memory_space<semaphore_mem>>)
    %dma_wait3A_325 = arith.constant 16000 : i32
    %dma_wait3A_326 = tpu.memref_slice %arg6[%dma_wait3A_325] : memref<20000xi32, #tpu.memory_space<vmem>> -> memref<1000xi32, #tpu.memory_space<vmem>>
    %dma_wait3A_327 = arith.constant 0 : i32
    %dma_wait3A_328 = arith.constant 0 : i32
    %dma_wait3A_329 = tpu.memref_slice %arg2[%dma_wait3A_327, %dma_wait3A_328] : memref<40000x32xf32, #tpu.memory_space<hbm>> -> memref<40000x32xf32, #tpu.memory_space<hbm>>
    tpu.wait_indirect_dma semaphore(%arg11 : memref<!tpu.dma_semaphore, #tpu.memory_space<semaphore_mem>>) src(%dma_wait3A_329 : memref<40000x32xf32, #tpu.memory_space<hbm>>) dst(%arg8 : memref<1000x32xf32, #tpu.memory_space<vmem>>)
    %dma_wait3A_330 = arith.constant 15000 : i32
    %dma_wait3A_331 = tpu.memref_slice %arg7[%dma_wait3A_330] : memref<20000xi32, #tpu.memory_space<vmem>> -> memref<1000xi32, #tpu.memory_space<vmem>>
    %dma_wait3A_332 = arith.constant 0 : i32
    %dma_wait3A_333 = arith.constant 0 : i32
    %dma_wait3A_334 = tpu.memref_slice %arg10[%dma_wait3A_332, %dma_wait3A_333] : memref<10000x32xf32, #tpu.memory_space<vmem_shared>> -> memref<10000x32xf32, #tpu.memory_space<vmem_shared>>
    tpu.wait_indirect_dma semaphore(%arg13 : memref<!tpu.dma_semaphore, #tpu.memory_space<semaphore_mem>>) src(%arg9 : memref<1000x32xf32, #tpu.memory_space<vmem>>) dst(%dma_wait3A_334 : memref<10000x32xf32, #tpu.memory_space<vmem_shared>>)
    %dma_start3A_335 = arith.constant 16000 : i32
    %dma_start3A_336 = tpu.memref_slice %arg7[%dma_start3A_335] : memref<20000xi32, #tpu.memory_space<vmem>> -> memref<1000xi32, #tpu.memory_space<vmem>>
    %dma_start3A_337 = arith.constant 0 : i32
    %dma_start3A_338 = arith.constant 0 : i32
    %dma_start3A_339 = tpu.memref_slice %arg10[%dma_start3A_337, %dma_start3A_338] : memref<10000x32xf32, #tpu.memory_space<vmem_shared>> -> memref<10000x32xf32, #tpu.memory_space<vmem_shared>>
    tpu.enqueue_indirect_dma source(%arg8 : memref<1000x32xf32, #tpu.memory_space<vmem>>) target(%dma_start3A_339 : memref<10000x32xf32, #tpu.memory_space<vmem_shared>>) offsets(%dma_start3A_336 : memref<1000xi32, #tpu.memory_space<vmem>>) semaphore(%arg13 : memref<!tpu.dma_semaphore, #tpu.memory_space<semaphore_mem>>) {add = true}
    %dma_start3A_340 = arith.constant 17000 : i32
    %dma_start3A_341 = tpu.memref_slice %arg6[%dma_start3A_340] : memref<20000xi32, #tpu.memory_space<vmem>> -> memref<1000xi32, #tpu.memory_space<vmem>>
    %dma_start3A_342 = arith.constant 0 : i32
    %dma_start3A_343 = arith.constant 0 : i32
    %dma_start3A_344 = tpu.memref_slice %arg2[%dma_start3A_342, %dma_start3A_343] : memref<40000x32xf32, #tpu.memory_space<hbm>> -> memref<40000x32xf32, #tpu.memory_space<hbm>>
    tpu.enqueue_indirect_dma source(%dma_start3A_344 : memref<40000x32xf32, #tpu.memory_space<hbm>>) target(%arg9 : memref<1000x32xf32, #tpu.memory_space<vmem>>) offsets(%dma_start3A_341 : memref<1000xi32, #tpu.memory_space<vmem>>) semaphore(%arg12 : memref<!tpu.dma_semaphore, #tpu.memory_space<semaphore_mem>>)
    %dma_wait3A_345 = arith.constant 17000 : i32
    %dma_wait3A_346 = tpu.memref_slice %arg6[%dma_wait3A_345] : memref<20000xi32, #tpu.memory_space<vmem>> -> memref<1000xi32, #tpu.memory_space<vmem>>
    %dma_wait3A_347 = arith.constant 0 : i32
    %dma_wait3A_348 = arith.constant 0 : i32
    %dma_wait3A_349 = tpu.memref_slice %arg2[%dma_wait3A_347, %dma_wait3A_348] : memref<40000x32xf32, #tpu.memory_space<hbm>> -> memref<40000x32xf32, #tpu.memory_space<hbm>>
    tpu.wait_indirect_dma semaphore(%arg12 : memref<!tpu.dma_semaphore, #tpu.memory_space<semaphore_mem>>) src(%dma_wait3A_349 : memref<40000x32xf32, #tpu.memory_space<hbm>>) dst(%arg9 : memref<1000x32xf32, #tpu.memory_space<vmem>>)
    %dma_wait3A_350 = arith.constant 16000 : i32
    %dma_wait3A_351 = tpu.memref_slice %arg7[%dma_wait3A_350] : memref<20000xi32, #tpu.memory_space<vmem>> -> memref<1000xi32, #tpu.memory_space<vmem>>
    %dma_wait3A_352 = arith.constant 0 : i32
    %dma_wait3A_353 = arith.constant 0 : i32
    %dma_wait3A_354 = tpu.memref_slice %arg10[%dma_wait3A_352, %dma_wait3A_353] : memref<10000x32xf32, #tpu.memory_space<vmem_shared>> -> memref<10000x32xf32, #tpu.memory_space<vmem_shared>>
    tpu.wait_indirect_dma semaphore(%arg13 : memref<!tpu.dma_semaphore, #tpu.memory_space<semaphore_mem>>) src(%arg8 : memref<1000x32xf32, #tpu.memory_space<vmem>>) dst(%dma_wait3A_354 : memref<10000x32xf32, #tpu.memory_space<vmem_shared>>)
    %dma_start3A_355 = arith.constant 17000 : i32
    %dma_start3A_356 = tpu.memref_slice %arg7[%dma_start3A_355] : memref<20000xi32, #tpu.memory_space<vmem>> -> memref<1000xi32, #tpu.memory_space<vmem>>
    %dma_start3A_357 = arith.constant 0 : i32
    %dma_start3A_358 = arith.constant 0 : i32
    %dma_start3A_359 = tpu.memref_slice %arg10[%dma_start3A_357, %dma_start3A_358] : memref<10000x32xf32, #tpu.memory_space<vmem_shared>> -> memref<10000x32xf32, #tpu.memory_space<vmem_shared>>
    tpu.enqueue_indirect_dma source(%arg9 : memref<1000x32xf32, #tpu.memory_space<vmem>>) target(%dma_start3A_359 : memref<10000x32xf32, #tpu.memory_space<vmem_shared>>) offsets(%dma_start3A_356 : memref<1000xi32, #tpu.memory_space<vmem>>) semaphore(%arg13 : memref<!tpu.dma_semaphore, #tpu.memory_space<semaphore_mem>>) {add = true}
    %dma_start3A_360 = arith.constant 18000 : i32
    %dma_start3A_361 = tpu.memref_slice %arg6[%dma_start3A_360] : memref<20000xi32, #tpu.memory_space<vmem>> -> memref<1000xi32, #tpu.memory_space<vmem>>
    %dma_start3A_362 = arith.constant 0 : i32
    %dma_start3A_363 = arith.constant 0 : i32
    %dma_start3A_364 = tpu.memref_slice %arg2[%dma_start3A_362, %dma_start3A_363] : memref<40000x32xf32, #tpu.memory_space<hbm>> -> memref<40000x32xf32, #tpu.memory_space<hbm>>
    tpu.enqueue_indirect_dma source(%dma_start3A_364 : memref<40000x32xf32, #tpu.memory_space<hbm>>) target(%arg8 : memref<1000x32xf32, #tpu.memory_space<vmem>>) offsets(%dma_start3A_361 : memref<1000xi32, #tpu.memory_space<vmem>>) semaphore(%arg11 : memref<!tpu.dma_semaphore, #tpu.memory_space<semaphore_mem>>)
    %dma_wait3A_365 = arith.constant 18000 : i32
    %dma_wait3A_366 = tpu.memref_slice %arg6[%dma_wait3A_365] : memref<20000xi32, #tpu.memory_space<vmem>> -> memref<1000xi32, #tpu.memory_space<vmem>>
    %dma_wait3A_367 = arith.constant 0 : i32
    %dma_wait3A_368 = arith.constant 0 : i32
    %dma_wait3A_369 = tpu.memref_slice %arg2[%dma_wait3A_367, %dma_wait3A_368] : memref<40000x32xf32, #tpu.memory_space<hbm>> -> memref<40000x32xf32, #tpu.memory_space<hbm>>
    tpu.wait_indirect_dma semaphore(%arg11 : memref<!tpu.dma_semaphore, #tpu.memory_space<semaphore_mem>>) src(%dma_wait3A_369 : memref<40000x32xf32, #tpu.memory_space<hbm>>) dst(%arg8 : memref<1000x32xf32, #tpu.memory_space<vmem>>)
    %dma_wait3A_370 = arith.constant 17000 : i32
    %dma_wait3A_371 = tpu.memref_slice %arg7[%dma_wait3A_370] : memref<20000xi32, #tpu.memory_space<vmem>> -> memref<1000xi32, #tpu.memory_space<vmem>>
    %dma_wait3A_372 = arith.constant 0 : i32
    %dma_wait3A_373 = arith.constant 0 : i32
    %dma_wait3A_374 = tpu.memref_slice %arg10[%dma_wait3A_372, %dma_wait3A_373] : memref<10000x32xf32, #tpu.memory_space<vmem_shared>> -> memref<10000x32xf32, #tpu.memory_space<vmem_shared>>
    tpu.wait_indirect_dma semaphore(%arg13 : memref<!tpu.dma_semaphore, #tpu.memory_space<semaphore_mem>>) src(%arg9 : memref<1000x32xf32, #tpu.memory_space<vmem>>) dst(%dma_wait3A_374 : memref<10000x32xf32, #tpu.memory_space<vmem_shared>>)
    %dma_start3A_375 = arith.constant 18000 : i32
    %dma_start3A_376 = tpu.memref_slice %arg7[%dma_start3A_375] : memref<20000xi32, #tpu.memory_space<vmem>> -> memref<1000xi32, #tpu.memory_space<vmem>>
    %dma_start3A_377 = arith.constant 0 : i32
    %dma_start3A_378 = arith.constant 0 : i32
    %dma_start3A_379 = tpu.memref_slice %arg10[%dma_start3A_377, %dma_start3A_378] : memref<10000x32xf32, #tpu.memory_space<vmem_shared>> -> memref<10000x32xf32, #tpu.memory_space<vmem_shared>>
    tpu.enqueue_indirect_dma source(%arg8 : memref<1000x32xf32, #tpu.memory_space<vmem>>) target(%dma_start3A_379 : memref<10000x32xf32, #tpu.memory_space<vmem_shared>>) offsets(%dma_start3A_376 : memref<1000xi32, #tpu.memory_space<vmem>>) semaphore(%arg13 : memref<!tpu.dma_semaphore, #tpu.memory_space<semaphore_mem>>) {add = true}
    %dma_start3A_380 = arith.constant 19000 : i32
    %dma_start3A_381 = tpu.memref_slice %arg6[%dma_start3A_380] : memref<20000xi32, #tpu.memory_space<vmem>> -> memref<1000xi32, #tpu.memory_space<vmem>>
    %dma_start3A_382 = arith.constant 0 : i32
    %dma_start3A_383 = arith.constant 0 : i32
    %dma_start3A_384 = tpu.memref_slice %arg2[%dma_start3A_382, %dma_start3A_383] : memref<40000x32xf32, #tpu.memory_space<hbm>> -> memref<40000x32xf32, #tpu.memory_space<hbm>>
    tpu.enqueue_indirect_dma source(%dma_start3A_384 : memref<40000x32xf32, #tpu.memory_space<hbm>>) target(%arg9 : memref<1000x32xf32, #tpu.memory_space<vmem>>) offsets(%dma_start3A_381 : memref<1000xi32, #tpu.memory_space<vmem>>) semaphore(%arg12 : memref<!tpu.dma_semaphore, #tpu.memory_space<semaphore_mem>>)
    %dma_wait3A_385 = arith.constant 19000 : i32
    %dma_wait3A_386 = tpu.memref_slice %arg6[%dma_wait3A_385] : memref<20000xi32, #tpu.memory_space<vmem>> -> memref<1000xi32, #tpu.memory_space<vmem>>
    %dma_wait3A_387 = arith.constant 0 : i32
    %dma_wait3A_388 = arith.constant 0 : i32
    %dma_wait3A_389 = tpu.memref_slice %arg2[%dma_wait3A_387, %dma_wait3A_388] : memref<40000x32xf32, #tpu.memory_space<hbm>> -> memref<40000x32xf32, #tpu.memory_space<hbm>>
    tpu.wait_indirect_dma semaphore(%arg12 : memref<!tpu.dma_semaphore, #tpu.memory_space<semaphore_mem>>) src(%dma_wait3A_389 : memref<40000x32xf32, #tpu.memory_space<hbm>>) dst(%arg9 : memref<1000x32xf32, #tpu.memory_space<vmem>>)
    %dma_wait3A_390 = arith.constant 18000 : i32
    %dma_wait3A_391 = tpu.memref_slice %arg7[%dma_wait3A_390] : memref<20000xi32, #tpu.memory_space<vmem>> -> memref<1000xi32, #tpu.memory_space<vmem>>
    %dma_wait3A_392 = arith.constant 0 : i32
    %dma_wait3A_393 = arith.constant 0 : i32
    %dma_wait3A_394 = tpu.memref_slice %arg10[%dma_wait3A_392, %dma_wait3A_393] : memref<10000x32xf32, #tpu.memory_space<vmem_shared>> -> memref<10000x32xf32, #tpu.memory_space<vmem_shared>>
    tpu.wait_indirect_dma semaphore(%arg13 : memref<!tpu.dma_semaphore, #tpu.memory_space<semaphore_mem>>) src(%arg8 : memref<1000x32xf32, #tpu.memory_space<vmem>>) dst(%dma_wait3A_394 : memref<10000x32xf32, #tpu.memory_space<vmem_shared>>)
    %dma_start3A_395 = arith.constant 19000 : i32
    %dma_start3A_396 = tpu.memref_slice %arg7[%dma_start3A_395] : memref<20000xi32, #tpu.memory_space<vmem>> -> memref<1000xi32, #tpu.memory_space<vmem>>
    %dma_start3A_397 = arith.constant 0 : i32
    %dma_start3A_398 = arith.constant 0 : i32
    %dma_start3A_399 = tpu.memref_slice %arg10[%dma_start3A_397, %dma_start3A_398] : memref<10000x32xf32, #tpu.memory_space<vmem_shared>> -> memref<10000x32xf32, #tpu.memory_space<vmem_shared>>
    tpu.enqueue_indirect_dma source(%arg9 : memref<1000x32xf32, #tpu.memory_space<vmem>>) target(%dma_start3A_399 : memref<10000x32xf32, #tpu.memory_space<vmem_shared>>) offsets(%dma_start3A_396 : memref<1000xi32, #tpu.memory_space<vmem>>) semaphore(%arg13 : memref<!tpu.dma_semaphore, #tpu.memory_space<semaphore_mem>>) {add = true}
    %dma_wait3A_400 = arith.constant 19000 : i32
    %dma_wait3A_401 = tpu.memref_slice %arg7[%dma_wait3A_400] : memref<20000xi32, #tpu.memory_space<vmem>> -> memref<1000xi32, #tpu.memory_space<vmem>>
    %dma_wait3A_402 = arith.constant 0 : i32
    %dma_wait3A_403 = arith.constant 0 : i32
    %dma_wait3A_404 = tpu.memref_slice %arg10[%dma_wait3A_402, %dma_wait3A_403] : memref<10000x32xf32, #tpu.memory_space<vmem_shared>> -> memref<10000x32xf32, #tpu.memory_space<vmem_shared>>
    tpu.wait_indirect_dma semaphore(%arg13 : memref<!tpu.dma_semaphore, #tpu.memory_space<semaphore_mem>>) src(%arg9 : memref<1000x32xf32, #tpu.memory_space<vmem>>) dst(%dma_wait3A_404 : memref<10000x32xf32, #tpu.memory_space<vmem_shared>>)
    %barrier3A_405 = arith.constant 0 : index
    tpu.barrier barrier_id(%barrier3A_405)
    %lt3A_406 = arith.constant 10 : i32
    %lt3A_407 = arith.cmpi slt, %arg1, %lt3A_406 : i32
    %convert_element_type3A_408 = arith.extui %lt3A_407 : i1 to i32
    %cond3A_409 = arith.constant 0 : i32
    %cond3A_410 = arith.cmpi ne, %convert_element_type3A_408, %cond3A_409 : i32
    scf.if %cond3A_410 {
      %mul3A_411 = arith.constant 1000 : i32
      %mul3A_412 = arith.muli %arg1, %mul3A_411 : i32
      "tpu.region"() ({
        %run_scoped3A = tpu.sem_alloc : memref<!tpu.dma_semaphore, #tpu.memory_space<semaphore_mem>>
        %dma_start3A_415 = arith.constant 0 : i32
        %dma_start3A_416 = tpu.memref_slice %arg10[%mul3A_412, %dma_start3A_415] : memref<10000x32xf32, #tpu.memory_space<vmem_shared>> -> memref<1000x32xf32, #tpu.memory_space<vmem_shared>>
        %dma_start3A_417 = arith.constant 0 : i32
        %dma_start3A_418 = tpu.memref_slice %arg10[%mul3A_412, %dma_start3A_417] : memref<10000x32xf32, #tpu.memory_space<vmem_shared>> -> memref<1000x32xf32, #tpu.memory_space<vmem_shared>>
        tpu.enqueue_dma source(%dma_start3A_418 : memref<1000x32xf32, #tpu.memory_space<vmem_shared>>) target(%arg8 : memref<1000x32xf32, #tpu.memory_space<vmem>>) target_semaphore(%run_scoped3A : memref<!tpu.dma_semaphore, #tpu.memory_space<semaphore_mem>>)
        %dma_wait3A_419 = arith.constant 0 : i32
        %dma_wait3A_420 = tpu.memref_slice %arg10[%mul3A_412, %dma_wait3A_419] : memref<10000x32xf32, #tpu.memory_space<vmem_shared>> -> memref<1000x32xf32, #tpu.memory_space<vmem_shared>>
        %dma_wait3A_421 = arith.constant 0 : i32
        %dma_wait3A_422 = tpu.memref_slice %arg10[%mul3A_412, %dma_wait3A_421] : memref<10000x32xf32, #tpu.memory_space<vmem_shared>> -> memref<1000x32xf32, #tpu.memory_space<vmem_shared>>
        tpu.wait_dma2 semaphore(%run_scoped3A : memref<!tpu.dma_semaphore, #tpu.memory_space<semaphore_mem>>) src(%dma_wait3A_422 : memref<1000x32xf32, #tpu.memory_space<vmem_shared>>) dst(%arg8 : memref<1000x32xf32, #tpu.memory_space<vmem>>)
        tpu.yield
      }) : () -> ()
      %mul3A_413 = arith.constant 32 : i32
      %mul3A_414 = arith.muli %arg0, %mul3A_413 : i32
      "tpu.region"() ({
        %run_scoped3A = tpu.sem_alloc : memref<!tpu.dma_semaphore, #tpu.memory_space<semaphore_mem>>
        %dma_start3A_415 = tpu.memref_slice %arg5[%mul3A_412, %mul3A_414] : memref<10000x128xf32, #tpu.memory_space<hbm>> -> memref<1000x32xf32, #tpu.memory_space<hbm>>
        %dma_start3A_416 = tpu.memref_slice %arg5[%mul3A_412, %mul3A_414] : memref<10000x128xf32, #tpu.memory_space<hbm>> -> memref<1000x32xf32, #tpu.memory_space<hbm>>
        tpu.enqueue_dma source(%arg8 : memref<1000x32xf32, #tpu.memory_space<vmem>>) target(%dma_start3A_416 : memref<1000x32xf32, #tpu.memory_space<hbm>>) target_semaphore(%run_scoped3A : memref<!tpu.dma_semaphore, #tpu.memory_space<semaphore_mem>>)
        %dma_wait3A_417 = tpu.memref_slice %arg5[%mul3A_412, %mul3A_414] : memref<10000x128xf32, #tpu.memory_space<hbm>> -> memref<1000x32xf32, #tpu.memory_space<hbm>>
        %dma_wait3A_418 = tpu.memref_slice %arg5[%mul3A_412, %mul3A_414] : memref<10000x128xf32, #tpu.memory_space<hbm>> -> memref<1000x32xf32, #tpu.memory_space<hbm>>
        tpu.wait_dma2 semaphore(%run_scoped3A : memref<!tpu.dma_semaphore, #tpu.memory_space<semaphore_mem>>) src(%arg8 : memref<1000x32xf32, #tpu.memory_space<vmem>>) dst(%dma_wait3A_418 : memref<1000x32xf32, #tpu.memory_space<hbm>>)
        tpu.yield
      }) : () -> ()
    } else {
    }
    return
  }
}

module attributes {stable_mosaic.version = 14 : i64} {
  func.func @_tc_heads_body(%arg0: memref<10000x128xf32, #tpu.memory_space<vmem>>, %arg1: memref<20000xf32, #tpu.memory_space<vmem>>, %arg2: memref<1x64xf32, #tpu.memory_space<vmem>>, %arg3: memref<1x64xf32, #tpu.memory_space<vmem>>, %arg4: memref<1x64xf32, #tpu.memory_space<vmem>>, %arg5: memref<1x1xf32, #tpu.memory_space<vmem>>, %arg6: memref<1x1xf32, #tpu.memory_space<vmem>>, %arg7: memref<10000x64xf32, #tpu.memory_space<vmem>>, %arg8: memref<10000xf32, #tpu.memory_space<vmem>>, %arg9: memref<10000xf32, #tpu.memory_space<vmem>>) attributes {dimension_semantics = [], scalar_prefetch = 0 : i64, scratch_operands = 0 : i64, tpu.core_type = #tpu.core_type<tc>} {
    %get3A = arith.constant 0 : index
    %get3A_0 = arith.constant 0 : index
    %get3A_1 = vector.load %arg0[%get3A, %get3A_0] : memref<10000x128xf32, #tpu.memory_space<vmem>>, vector<10000x128xf32>
    %slice3A = vector.extract_strided_slice %get3A_1 {offsets = [0, 0], sizes = [10000, 64], strides = [1, 1]} : vector<10000x128xf32> to vector<10000x64xf32>
    %get3A_2 = arith.constant 0 : index
    %get3A_3 = vector.load %arg1[%get3A_2] : memref<20000xf32, #tpu.memory_space<vmem>>, vector<10000xf32>
    %get3A_4 = arith.constant 10000 : index
    %get3A_5 = vector.load %arg1[%get3A_4] : memref<20000xf32, #tpu.memory_space<vmem>>, vector<10000xf32>
    %add3A = arith.addf %get3A_3, %get3A_5 : vector<10000xf32>
    %max3A = arith.constant 1.000000e+00 : f32
    %max3A_6 = vector.broadcast %max3A : f32 to vector<10000xf32>
    %max3A_7 = arith.maximumf %add3A, %max3A_6 : vector<10000xf32>
    %rsqrt3A = math.rsqrt %max3A_7 : vector<10000xf32>
    %broadcast_in_dim3A = vector.shape_cast %rsqrt3A : vector<10000xf32> to vector<1x10000xf32>
    %broadcast_in_dim3A_8 = arith.constant 1.000000e+00 : f32
    %broadcast_in_dim3A_9 = vector.broadcast %broadcast_in_dim3A_8 : f32 to vector<1x64xf32>
    %dot_general3A = arith.constant dense<0.000000e+00> : vector<10000x64xf32>
    %dot_general3A_10 = tpu.matmul %broadcast_in_dim3A, %broadcast_in_dim3A_9, %dot_general3A {dimension_numbers = #tpu.dot_dimension_numbers<[0], [0], [1], [1], [0, 1, 1, 1], [], []>, transpose_lhs_hint = false} : vector<1x10000xf32>, vector<1x64xf32>, vector<10000x64xf32> -> vector<10000x64xf32>
    %mul3A = arith.mulf %slice3A, %dot_general3A_10 : vector<10000x64xf32>
    %get3A_11 = arith.constant 0 : index
    %get3A_12 = arith.constant 0 : index
    %get3A_13 = vector.load %arg2[%get3A_11, %get3A_12] : memref<1x64xf32, #tpu.memory_space<vmem>>, vector<1x64xf32>
    %add3A_14 = vector.broadcast %get3A_13 : vector<1x64xf32> to vector<10000x64xf32>
    %add3A_15 = arith.addf %mul3A, %add3A_14 : vector<10000x64xf32>
    %swap3A = arith.constant 0 : index
    %swap3A_16 = arith.constant 0 : index
    %swap3A_17 = vector.load %arg7[%swap3A, %swap3A_16] : memref<10000x64xf32, #tpu.memory_space<vmem>>, vector<10000x64xf32>
    tpu.vector_store %arg7[%swap3A, %swap3A_16], %add3A_15 {strides = array<i32>} : memref<10000x64xf32, #tpu.memory_space<vmem>>, vector<10000x64xf32>,
    %get3A_18 = arith.constant 0 : index
    %get3A_19 = arith.constant 0 : index
    %get3A_20 = vector.load %arg3[%get3A_18, %get3A_19] : memref<1x64xf32, #tpu.memory_space<vmem>>, vector<1x64xf32>
    %mul3A_21 = vector.broadcast %get3A_20 : vector<1x64xf32> to vector<10000x64xf32>
    %mul3A_22 = arith.mulf %add3A_15, %mul3A_21 : vector<10000x64xf32>
    %reduce_sum3A = arith.constant dense<0.000000e+00> : vector<10000xf32>
    %reduce_sum3A_23 = vector.multi_reduction <add>, %mul3A_22, %reduce_sum3A [1] : vector<10000x64xf32> to vector<10000xf32>
    %get3A_24 = arith.constant 0 : index
    %get3A_25 = arith.constant 0 : index
    %get3A_26 = vector.load %arg5[%get3A_24, %get3A_25] : memref<1x1xf32, #tpu.memory_space<vmem>>, vector<1x1xf32>
    %get3A_27 = vector.extract %get3A_26[0, 0] : f32 from vector<1x1xf32>
    %add3A_28 = vector.broadcast %get3A_27 : f32 to vector<10000xf32>
    %add3A_29 = arith.addf %reduce_sum3A_23, %add3A_28 : vector<10000xf32>
    %swap3A_30 = arith.constant 0 : index
    %swap3A_31 = vector.load %arg8[%swap3A_30] : memref<10000xf32, #tpu.memory_space<vmem>>, vector<10000xf32>
    tpu.vector_store %arg8[%swap3A_30], %add3A_29 {strides = array<i32>} : memref<10000xf32, #tpu.memory_space<vmem>>, vector<10000xf32>,
    %get3A_32 = arith.constant 0 : index
    %get3A_33 = arith.constant 0 : index
    %get3A_34 = vector.load %arg4[%get3A_32, %get3A_33] : memref<1x64xf32, #tpu.memory_space<vmem>>, vector<1x64xf32>
    %mul3A_35 = vector.broadcast %get3A_34 : vector<1x64xf32> to vector<10000x64xf32>
    %mul3A_36 = arith.mulf %add3A_15, %mul3A_35 : vector<10000x64xf32>
    %reduce_sum3A_37 = arith.constant dense<0.000000e+00> : vector<10000xf32>
    %reduce_sum3A_38 = vector.multi_reduction <add>, %mul3A_36, %reduce_sum3A_37 [1] : vector<10000x64xf32> to vector<10000xf32>
    %get3A_39 = arith.constant 0 : index
    %get3A_40 = arith.constant 0 : index
    %get3A_41 = vector.load %arg6[%get3A_39, %get3A_40] : memref<1x1xf32, #tpu.memory_space<vmem>>, vector<1x1xf32>
    %get3A_42 = vector.extract %get3A_41[0, 0] : f32 from vector<1x1xf32>
    %add3A_43 = vector.broadcast %get3A_42 : f32 to vector<10000xf32>
    %add3A_44 = arith.addf %reduce_sum3A_38, %add3A_43 : vector<10000xf32>
    %swap3A_45 = arith.constant 0 : index
    %swap3A_46 = vector.load %arg9[%swap3A_45] : memref<10000xf32, #tpu.memory_space<vmem>>, vector<10000xf32>
    tpu.vector_store %arg9[%swap3A_45], %add3A_44 {strides = array<i32>} : memref<10000xf32, #tpu.memory_space<vmem>>, vector<10000xf32>,
    return
  }
}

module attributes {stable_mosaic.version = 14 : i64} {
  func.func @_tc_matmul_body(%arg0: memref<10000x128xf32, #tpu.memory_space<vmem>>, %arg1: memref<128x64xf32, #tpu.memory_space<vmem>>, %arg2: memref<10000x128xf32, #tpu.memory_space<vmem>>) attributes {dimension_semantics = [], scalar_prefetch = 0 : i64, scratch_operands = 0 : i64, tpu.core_type = #tpu.core_type<tc>} {
    %get3A = arith.constant 0 : index
    %get3A_0 = arith.constant 0 : index
    %get3A_1 = vector.load %arg0[%get3A, %get3A_0] : memref<10000x128xf32, #tpu.memory_space<vmem>>, vector<10000x128xf32>
    %get3A_2 = arith.constant 0 : index
    %get3A_3 = arith.constant 0 : index
    %get3A_4 = vector.load %arg1[%get3A_2, %get3A_3] : memref<128x64xf32, #tpu.memory_space<vmem>>, vector<128x64xf32>
    %dot_general3A = arith.constant dense<0.000000e+00> : vector<10000x64xf32>
    %dot_general3A_5 = tpu.matmul %get3A_1, %get3A_4, %dot_general3A {dimension_numbers = #tpu.dot_dimension_numbers<[1], [0], [0], [1], [0, 0, 1, 1], [], []>, transpose_lhs_hint = false} : vector<10000x128xf32>, vector<128x64xf32>, vector<10000x64xf32> -> vector<10000x64xf32>
    %broadcast_in_dim3A = arith.constant 0.000000e+00 : f32
    %broadcast_in_dim3A_6 = vector.broadcast %broadcast_in_dim3A : f32 to vector<10000x64xf32>
    %concatenate3A = tpu.concatenate %dot_general3A_5, %broadcast_in_dim3A_6 in 1 : vector<10000x64xf32>, vector<10000x64xf32> -> vector<10000x128xf32>
    %swap3A = arith.constant 0 : index
    %swap3A_7 = arith.constant 0 : index
    %swap3A_8 = vector.load %arg2[%swap3A, %swap3A_7] : memref<10000x128xf32, #tpu.memory_space<vmem>>, vector<10000x128xf32>
    tpu.vector_store %arg2[%swap3A, %swap3A_7], %concatenate3A {strides = array<i32>} : memref<10000x128xf32, #tpu.memory_space<vmem>>, vector<10000x128xf32>,
    return
  }
}

module attributes {stable_mosaic.version = 14 : i64} {
  func.func @_tc_edgeprep_body(%arg0: memref<2x320000xi32, #tpu.memory_space<vmem>>, %arg1: memref<960000xi32, #tpu.memory_space<vmem>>) attributes {dimension_semantics = [], scalar_prefetch = 0 : i64, scratch_operands = 0 : i64, tpu.core_type = #tpu.core_type<tc>} {
    %get3A = arith.constant 0 : index
    %get3A_0 = arith.constant 0 : index
    %get3A_1 = vector.load %arg0[%get3A, %get3A_0] : memref<2x320000xi32, #tpu.memory_space<vmem>>, vector<1x320000xi32>
    %get3A_2 = vector.shape_cast %get3A_1 : vector<1x320000xi32> to vector<320000xi32>
    %mul3A = arith.constant 4 : i32
    %mul3A_3 = vector.broadcast %mul3A : i32 to vector<320000xi32>
    %mul3A_4 = arith.muli %get3A_2, %mul3A_3 : vector<320000xi32>
    %swap3A = arith.constant 0 : index
    %swap3A_5 = vector.load %arg1[%swap3A] : memref<960000xi32, #tpu.memory_space<vmem>>, vector<320000xi32>
    tpu.vector_store %arg1[%swap3A], %mul3A_4 {strides = array<i32>} : memref<960000xi32, #tpu.memory_space<vmem>>, vector<320000xi32>,
    %add3A = arith.constant 1 : i32
    %add3A_6 = vector.broadcast %add3A : i32 to vector<320000xi32>
    %add3A_7 = arith.addi %mul3A_4, %add3A_6 : vector<320000xi32>
    %swap3A_8 = arith.constant 320000 : index
    %swap3A_9 = vector.load %arg1[%swap3A_8] : memref<960000xi32, #tpu.memory_space<vmem>>, vector<320000xi32>
    tpu.vector_store %arg1[%swap3A_8], %add3A_7 {strides = array<i32>} : memref<960000xi32, #tpu.memory_space<vmem>>, vector<320000xi32>,
    %get3A_10 = arith.constant 1 : index
    %get3A_11 = arith.constant 0 : index
    %get3A_12 = vector.load %arg0[%get3A_10, %get3A_11] : memref<2x320000xi32, #tpu.memory_space<vmem>>, vector<1x320000xi32>
    %get3A_13 = vector.shape_cast %get3A_12 : vector<1x320000xi32> to vector<320000xi32>
    %swap3A_14 = arith.constant 640000 : index
    %swap3A_15 = vector.load %arg1[%swap3A_14] : memref<960000xi32, #tpu.memory_space<vmem>>, vector<320000xi32>
    tpu.vector_store %arg1[%swap3A_14], %get3A_13 {strides = array<i32>} : memref<960000xi32, #tpu.memory_space<vmem>>, vector<320000xi32>,
    return
  }
}

module attributes {stable_mosaic.version = 14 : i64} {
  func.func @_tc_prescale_body(%arg0: memref<20000xf32, #tpu.memory_space<vmem>>, %arg1: memref<10000x128xf32, #tpu.memory_space<vmem>>, %arg2: memref<10000x128xf32, #tpu.memory_space<vmem>>) attributes {dimension_semantics = [], scalar_prefetch = 0 : i64, scratch_operands = 0 : i64, tpu.core_type = #tpu.core_type<tc>} {
    %get3A = arith.constant 0 : index
    %get3A_0 = arith.constant 0 : index
    %get3A_1 = vector.load %arg1[%get3A, %get3A_0] : memref<10000x128xf32, #tpu.memory_space<vmem>>, vector<10000x128xf32>
    %slice3A = vector.extract_strided_slice %get3A_1 {offsets = [0, 0], sizes = [10000, 64], strides = [1, 1]} : vector<10000x128xf32> to vector<10000x64xf32>
    %get3A_2 = arith.constant 0 : index
    %get3A_3 = vector.load %arg0[%get3A_2] : memref<20000xf32, #tpu.memory_space<vmem>>, vector<10000xf32>
    %get3A_4 = arith.constant 10000 : index
    %get3A_5 = vector.load %arg0[%get3A_4] : memref<20000xf32, #tpu.memory_space<vmem>>, vector<10000xf32>
    %add3A = arith.addf %get3A_3, %get3A_5 : vector<10000xf32>
    %max3A = arith.constant 1.000000e+00 : f32
    %max3A_6 = vector.broadcast %max3A : f32 to vector<10000xf32>
    %max3A_7 = arith.maximumf %add3A, %max3A_6 : vector<10000xf32>
    %rsqrt3A = math.rsqrt %max3A_7 : vector<10000xf32>
    %broadcast_in_dim3A = vector.shape_cast %rsqrt3A : vector<10000xf32> to vector<1x10000xf32>
    %broadcast_in_dim3A_8 = arith.constant 1.000000e+00 : f32
    %broadcast_in_dim3A_9 = vector.broadcast %broadcast_in_dim3A_8 : f32 to vector<1x64xf32>
    %dot_general3A = arith.constant dense<0.000000e+00> : vector<10000x64xf32>
    %dot_general3A_10 = tpu.matmul %broadcast_in_dim3A, %broadcast_in_dim3A_9, %dot_general3A {dimension_numbers = #tpu.dot_dimension_numbers<[0], [0], [1], [1], [0, 1, 1, 1], [], []>, transpose_lhs_hint = false} : vector<1x10000xf32>, vector<1x64xf32>, vector<10000x64xf32> -> vector<10000x64xf32>
    %mul3A = arith.mulf %slice3A, %dot_general3A_10 : vector<10000x64xf32>
    %broadcast_in_dim3A_11 = arith.constant 0.000000e+00 : f32
    %broadcast_in_dim3A_12 = vector.broadcast %broadcast_in_dim3A_11 : f32 to vector<10000x64xf32>
    %concatenate3A = tpu.concatenate %mul3A, %broadcast_in_dim3A_12 in 1 : vector<10000x64xf32>, vector<10000x64xf32> -> vector<10000x128xf32>
    %swap3A = arith.constant 0 : index
    %swap3A_13 = arith.constant 0 : index
    %swap3A_14 = vector.load %arg2[%swap3A, %swap3A_13] : memref<10000x128xf32, #tpu.memory_space<vmem>>, vector<10000x128xf32>
    tpu.vector_store %arg2[%swap3A, %swap3A_13], %concatenate3A {strides = array<i32>} : memref<10000x128xf32, #tpu.memory_space<vmem>>, vector<10000x128xf32>,
    return
  }
}

</mosaic_0001>

<sc_bundles>
// kernel: kernel.11.cloned.1.call-start
scs
__scs_entry_jumppad:
0x0: {  	(pc) =	sbr.rel $0x88, $3  }
0x1: {  	(tag) =	ssettag $0x0;
	lr =	simm.s32 $0x1  }
0x2: {  	[smem:$0x3F99] =	sst lr;
	_ =	strace $0xD0000000  }
0x3: {  	_ = 	snop  }
0x4: {  	_ = 	snop  }
0x5: {  	_ = 	snop  }
0x6: {  	_ = 	snop  }
0x7: {  	_ = 	snop  }
__scs_overlays_trampoline_lowered:
0x8: {  	[smem:$0x3FA8] =	sst s0  }
0x9: {  	[smem:$0x3FA9] =	sst s1  }
0xa: {  	[smem:$0x3FAA] =	sst s2  }
0xb: {  	[smem:$0x3FAB] =	sst s3  }
0xc: {  	[smem:$0x3FAC] =	sst s4  }
0xd: {  	[smem:$0x3FAD] =	sst s5  }
0xe: {  	[smem:$0x3FAE] =	sst s6  }
0xf: {  	[smem:$0x3FAF] =	sst s7  }
0x10: {  	[smem:$0x3FB0] =	sst s8  }
0x11: {  	[smem:$0x3FB1] =	sst s9;
	s0 =	simm.s32 @!p0 $0x0  }
0x12: {  	s1 =	sld [smem:$0x3F97];
	s0 =	simm.s32 @p0 $0x1  }
0x13: {  	[smem:$0x3FB2] =	sst s0;
	s0 =	simm.s32 @!p1 $0x0  }
0x14: {  	s2 =	sld [smem:$0x3F96];
	s0 =	simm.s32 @p1 $0x1  }
0x15: {  	[smem:$0x3FB3] =	sst s0;
	s0 =	simm.s32 @!p2 $0x0  }
0x16: {  	s3 =	sld [smem:$0x3FDB];
	s0 =	simm.s32 @p2 $0x1  }
0x17: {  	s4 =	simm.s32 $0x1BF5;
	[smem:$0x3FB5] =	sst s0  }
0x18: {  	s0 =	sld [smem:$0x3F98];
	_ =	swait.ge [sflag:s4], $0x0  }
0x19: {  	s7 =	sld [smem:$0x3F99]  }
0x1a: {  	s8 =	sadd.s32 $0xFFFFE003, lr  }
0x1b: {  	s9 =	sadd.s32 $0xFFFFFEF7, lr;
	s5 =	simm.s32 $0xFFFFFFFF;
	p2 =	slt.u32 s8, $0xFFFFF086  }
0x1c: {  	p1 =	slt.u32 s9, $0xF7A;
	s5 =	simm.s32 @!p2 $0x0  }
0x1d: {  	s5 =	simm.s32 @p1 $0x1;
	p0 =	seq.s32 s7, s2  }
0x1e: {  	s7 =	smul.u32 @!p0 $0xF7A, s2;
	p2 =	seq.s32 @!p0 s5, $0x0  }
0x1f: {  	s9 =	smul.u32 $0xF7A, s1;
	s8 =	simm.s32 @!p0 $0x1BF5;
	p2 =	por !p2, p0  }
0x20: {  	[sflag:s8] =	ssyncset.s32 @!p0 $0xFFFFF086;
	s6 =	sadd.s32 @!p0 s3, s7;
	s7 =	simm.s32 @!p0 $0x108  }
0x21: {  	s3 =	sadd.s32 s3, s9;
	s6 =	sadd.s32 @!p0 $0x88, s6;
	s7 =	simm.s32 @p2 $0x1082  }
0x22: {  	[simem:s7], [sflag:s8] =	dma.local @!p0 [hbm:s6], $0xF7A  }
0x23: {  	s9 =	sor.u32 $0xD0000000, s2;
	s6 =	simm.s32 $0x108;
	_ =	swait.ge @!p0 [sflag:s8], $0x0  }
0x24: {  	s3 =	sadd.s32 $0x88, s3;
	s6 =	simm.s32 @!p1 $0x1082;
	[sflag:s4] =	ssyncset.s32 $0xFFFFF086  }
0x25: {  	[simem:s6], [sflag:s4] =	dma.local [hbm:s3], $0xF7A  }
0x26: {  	[smem:$0x3F99] =	sst s1;
	(tag) =	ssettag s2;
	_ =	strace s9  }
0x27: {  	s1 =	sld [smem:$0x3FA9]  }
0x28: {  	s2 =	sld [smem:$0x3FAA]  }
0x29: {  	s4 =	sld [smem:$0x3FAC]  }
0x2a: {  	p0 =	seq.s32 s5, $0x0;
	s5 =	sld [smem:$0x3FAD]  }
0x2b: {  	s6 =	sld [smem:$0x3FAE]  }
0x2c: {  	s7 =	sld [smem:$0x3FAF]  }
0x2d: {  	s3 =	simm.s32 $0x108;
	s8 =	sld [smem:$0x3FB0]  }
0x2e: {  	s3 =	simm.s32 @!p0 $0x1082;
	s9 =	sld [smem:$0x3FB1]  }
0x2f: {  	lr =	sadd.s32 s0, s3;
	s0 =	sld [smem:$0x3FA8]  }
0x30: {  	s3 =	sld [smem:$0x3FAB]  }
0x31: {  	[smem:$0x3FB4] =	sst s10  }
0x32: {  	s10 =	sld [smem:$0x3FB2];
	_ =	sdelay $0x3  }
0x33: {  	p0 =	seq.s32 s10, $0x1;
	s10 =	sld [smem:$0x3FB4];
	_ =	sdelay $0x3  }
0x34: {  	[smem:$0x3FB4] =	sst s10  }
0x35: {  	s10 =	sld [smem:$0x3FB3];
	_ =	sdelay $0x3  }
0x36: {  	p1 =	seq.s32 s10, $0x1;
	s10 =	sld [smem:$0x3FB4];
	_ =	sdelay $0x3  }
0x37: {  	[smem:$0x3FB4] =	sst s10  }
0x38: {  	s10 =	sld [smem:$0x3FB5]  }
0x39: {  	_ = 	snop;
	(pc) =	sbr.ind lr, $3  }
0x3a: {  	_ = 	snop  }
0x3b: {  	_ = 	snop  }
0x3c: {  	p2 =	seq.s32 s10, $0x1;
	s10 =	sld [smem:$0x3FB4]  }
0x3d: {  	_ =	shalt  }
0x3e: {  	_ =	shalt  }
0x3f: {  	_ =	shalt  }
0x40: {  	_ =	shalt  }
0x41: {  	_ =	shalt  }
0x42: {  	_ =	shalt  }
0x43: {  	_ =	shalt  }
0x44: {  	_ =	shalt  }
0x45: {  	_ =	shalt  }
0x46: {  	_ =	shalt  }
0x47: {  	_ =	shalt  }
0x48: {  	_ =	shalt  }
0x49: {  	_ =	shalt  }
0x4a: {  	_ =	shalt  }
0x4b: {  	_ =	shalt  }
0x4c: {  	_ =	shalt  }
0x4d: {  	_ =	shalt  }
0x4e: {  	_ =	shalt  }
0x4f: {  	_ =	shalt  }
0x50: {  	_ =	shalt  }
0x51: {  	_ =	shalt  }
0x52: {  	_ =	shalt  }
0x53: {  	_ =	shalt  }
0x54: {  	_ =	shalt  }
0x55: {  	_ =	shalt  }
0x56: {  	_ =	shalt  }
0x57: {  	_ =	shalt  }
0x58: {  	_ =	shalt  }
0x59: {  	_ =	shalt  }
0x5a: {  	_ =	shalt  }
0x5b: {  	_ =	shalt  }
0x5c: {  	_ =	shalt  }
0x5d: {  	_ =	shalt  }
0x5e: {  	_ =	shalt  }
0x5f: {  	_ =	shalt  }
0x60: {  	_ =	shalt  }
0x61: {  	_ =	shalt  }
0x62: {  	_ =	shalt  }
0x63: {  	_ =	shalt  }
0x64: {  	_ =	shalt  }
0x65: {  	_ =	shalt  }
0x66: {  	_ =	shalt  }
0x67: {  	_ =	shalt  }
0x68: {  	_ =	shalt  }
0x69: {  	_ =	shalt  }
0x6a: {  	_ =	shalt  }
0x6b: {  	_ =	shalt  }
0x6c: {  	_ =	shalt  }
0x6d: {  	_ =	shalt  }
0x6e: {  	_ =	shalt  }
0x6f: {  	_ =	shalt  }
0x70: {  	_ =	shalt  }
0x71: {  	_ =	shalt  }
0x72: {  	_ =	shalt  }
0x73: {  	_ =	shalt  }
0x74: {  	_ =	shalt  }
0x75: {  	_ =	shalt  }
0x76: {  	_ =	shalt  }
0x77: {  	_ =	shalt  }
0x78: {  	_ =	shalt  }
0x79: {  	_ =	shalt  }
0x7a: {  	_ =	shalt  }
0x7b: {  	_ =	shalt  }
0x7c: {  	_ =	shalt  }
0x7d: {  	_ =	shalt  }
0x7e: {  	_ =	shalt  }
0x7f: {  	_ =	shalt  }
0x80: {  	_ =	shalt  }
0x81: {  	_ =	shalt  }
0x82: {  	_ =	shalt  }
0x83: {  	_ =	shalt  }
0x84: {  	_ =	shalt  }
0x85: {  	_ =	shalt  }
0x86: {  	_ =	shalt  }
0x87: {  	_ =	shalt  }
.Lfunc_end0:
.L_simem_size_0:
called_computation.1_lowered:
.L_overlay_start_0:
0x88: {  	s2 =	sld [smem:$0x3FD9]  }
0x89: {  	s3 =	sld [smem:$0x3FFE];
	_ =	sdelay $0x1  }
0x8a: {  	s1 =	srdreg.scid  }
0x8b: {  	s0 =	sand.u32 $0x1, s1  }
0x8c: {  	s14 =	sshll.u32 s0, $0xA;
	s2 =	sadd.s32 s3, s2  }
0x8d: {  	s2 =	sadd.s32 s2, s14  }
0x8e: {  	[smem:$0x3FC0] =	sst s2  }
0x8f: {  	_ = 	snop  }
0x90: {  	s2 =	sld [smem:$0x3FD0];
	_ =	sdelay $0x2  }
0x91: {  	s15 =	simm.s32 $0xA;
	s4 =	simm.s32 $0x10  }
0x92: {  	[smem:s4], [sflag:s15] =	dma.local [hbm:s2], $0x1  }
0x93: {  	_ =	swait.eq [sflag:s15], $0x1  }
0x94: {  	[sflag:s15] =	ssyncset.done $0x0  }
0x95: {  	[sflag:s15] =	ssyncadd.s32 $0xFFFFFFFF  }
0x96: {  	s16 =	sld [smem:$0x10];
	(tm) =	ssettm $0x1  }
0x97: {  	s17 =	sld [smem:$0x3FFB];
	_ =	sdelay $0x3  }
0x98: {  	_ =	strace s17  }
0x99: {  	s3 =	sld [smem:$0x3FFC];
	_ =	sdelay $0x3  }
0x9a: {  	_ =	strace s3  }
0x9b: {  	s3 =	sld [smem:$0x3FFD];
	_ =	sdelay $0x3  }
0x9c: {  	_ =	strace s3  }
0x9d: {  	_ =	strace $0x8FFFFFFF  }
0x9e: {  	s18 =	sld [smem:$0x3FDB];
	_ =	sdelay $0x1  }
0x9f: {  	s19 =	simm.s32 $_scs_section_size  }
0xa0: {  	s5 =	simm.s32 $_size__tile_overlayer_lowered;
	s6 =	simm.s32 $_tile_overlayer_lowered  }
0xa1: {  	s22 =	simm.s32 $0x1BFF;
	s21 =	sshll.u32 s6, $0x1;
	s3 =	sadd.s32 s19, s18  }
0xa2: {  	s7 =	simm.s32 $0x0;
	s20 =	sshll.u32 s5, $0x1;
	s5 =	sadd.s32 s21, s3  }
0xa3: {  	[timem:s7], [sflag:s22] =	dma.local [hbm:s5], s20  }
0xa4: {  	_ =	swait.ge [sflag:s22], s20  }
0xa5: {  	s4 =	ssub.s32 $0x0, s20;
	[sflag:s22] =	ssyncset.done $0x0  }
0xa6: {  	[sflag:s22] =	ssyncadd.s32 s4;
	_ =	sdelay $0x1  }
0xa7: {  	s23 =	simm.s32 $0x1B8B  }
0xa8: {  	_ =	swait.ge [sflag:s23], $0x1  }
0xa9: {  	[sflag:s23] =	ssyncset.done $0x0  }
0xaa: {  	s25 =	simm.s32 $0x1B8E;
	s24 =	sld [smem:$0x3FFE];
	[sflag:s23] =	ssyncadd.s32 $0xFFFFFFFF  }
0xab: {  	s26 =	simm.s32 $execute0_lowered;
	[smem:$0x3FD2] =	sst s25  }
0xac: {  	s5 =	sshll.u32 s26, $0x1;
	_ =	strace $0x80000049;
	[dreg:$0x1] =	wrdreg $0xFFFFFFFF  }
0xad: {  	s28 =	simm.s32 $_size_execute0_lowered;
	s3 =	sadd.s32 s3, s5;
	[dreg:$0x0] =	wrdreg $0x0  }
0xae: {  	s5 =	sshll.u32 s28, $0x1;
	[dreg:$0x2] =	wrdreg s3  }
0xaf: {  	[dreg:$0x3] =	wrdreg s5  }
0xb0: {  	[dreg:$0x4] =	wrdreg $0xC0  }
0xb1: {  	_ =	task [dreg:s7], $0x5FFFF  }
0xb2: {  	[dreg:$0x1] =	wrdreg $0xFFFFFFFF  }
0xb3: {  	[dreg:$0x0] =	wrdreg $0x60  }
0xb4: {  	[dreg:$0x2] =	wrdreg s24  }
0xb5: {  	[dreg:$0x3] =	wrdreg s16  }
0xb6: {  	[dreg:$0x4] =	wrdreg $0x196400  }
0xb7: {  	[dreg:$0x5] =	wrdreg $0x9  }
0xb8: {  	_ =	task.clear_ibuf [dreg:s7], $0x6FFFF;
	_ =	strace $0x90000049  }
0xb9: {  	s29 =	simm.s32 $0x9;
	_ =	strace $0x8000004B  }
0xba: {  	_ =	swait.ge [sflag:s29], $0x1  }
0xbb: {  	[sflag:s29] =	ssyncadd.s32 $0xFFFFFFFF  }
0xbc: {  	_ =	strace $0x9000004B  }
0xbd: {  	_ =	sfence  }
0xbe: {  	s30 =	sld [smem:$0x0];
	_ =	sdelay $0x2  }
0xbf: {  	s31 =	sshll.u32 s1, $0xD;
	s1 =	sshrl.u32 s1, $0x2  }
0xc0: {  	s3 =	sand.u32 $0x4000, s31;
	s1 =	sadd.s32 s1, s30  }
0xc1: {  	s0 =	sor.u32 s3, s0;
	s1 =	sshll.u32 s1, $0x11  }
0xc2: {  	s0 =	sor.u32 s1, s0  }
0xc3: {  	s0 =	sadd.s32 $0x8F2B, s0  }
0xc4: {  	[sflag:s0] =	ssyncadd.remote.s32 $0x1  }
0xc5: {  	_ =	sfence.sel $0xFFFF  }
0xc6: {  	[dreg:$0x0] =	wrdreg $0xFFFFFFFF;
	(pc) =	sbr.abs _section_cstart, $3  }
0xc7: {  	[dreg:$0x1] =	wrdreg $0xFFFFFFFF  }
0xc8: {  	_ =	task.clear_ibuf [dreg:s7], $0x2FFFF;
	_ =	strace $0x9FFFFFFF  }
0xc9: {  	(tm) =	ssettm $0x7FFFFFFF  }
tec
execute0_lowered:
.L_overlay_start_1:
0x0: {  	(tag) =	ssettag $0x1  }
0x1: {  	s0 =	rddreg [dreg:$0x0]  }
0x2: {  	s1 =	rddreg [dreg:$0x1]  }
0x3: {  	s2 =	rddreg [dreg:$0x2]  }
0x4: {  	s29 =	rddreg [dreg:$0x3];
	s30 =	stileid.u32  }
0x5: {  	s24 =	simm.s32 $0x0;
	s3 =	srdreg.scid;
	s23 =	simm.s32 $0x5208  }
0x6: {  	s25 =	simm.s32 $0x7D0;
	s26 =	simm.s32 $0x55F0;
	s28 =	simm.s32 $0xBB8  }
0x7: {  	s11 =	simm.s32 $0x1B58;
	s13 =	simm.s32 $0x6978;
	[smem:$0x7FF] =	sst s24  }
0x8: {  	s31 =	simm.s32 $0x36B0;
	_ =	strace $0x8000004A;
	[dreg:$0xa] =	wrdreg s23  }
0x9: {  	p1 =	por $0x0, $0x0;
	s4 =	smul.u32 $0x1F400, s30;
	[dreg:$0xb] =	wrdreg s25  }
0xa: {  	s5 =	sand.u32 $0x1, s3;
	s14 =	smul.u32 $0x7D00, s30;
	[dreg:$0xc] =	wrdreg s26  }
0xb: {  	s9 =	smul.u32 $0x4E20, s30;
	s10 =	sadd.s32 $0x2400, s0;
	[dreg:$0xd] =	wrdreg s28  }
0xc: {  	p0 =	sgt.u32 s30, $0x9;
	s6 =	smul.u32 $0x4E200, s5;
	[dreg:$0x15] =	wrdreg s11  }
0xd: {  	s7 =	sshll.u32 s5, $0x5;
	s12 =	ssub.s32 $0x2, s5;
	[dreg:$0x16] =	wrdreg s13  }
0xe: {  	s26 =	simm.s32 $0x4;
	s25 =	simm.s32 $0x4E20;
	s23 =	simm.s32 $0x2EE0  }
0xf: {  	s5 =	simm.s32 $0x11940;
	s28 =	simm.s32 $0x7D00;
	s11 =	simm.s32 $0x32C8  }
0x10: {  	s13 =	simm.s32 $0x9470;
	s8 =	sshrl.u32 s14, $0x3;
	s7 =	sor.u32 s7, s4  }
0x11: {  	s3 =	sadd.s32 s14, s2;
	s16 =	sshrl.u32 s9, $0x3;
	s19 =	sshrl.u32 s4, $0x2  }
0x12: {  	s4 =	simm.s32 $0xFA0;
	s14 =	sshrl.u32 s12, $0x1;
	[dreg:$0x1f] =	wrdreg s23  }
0x13: {  	[smem:$0x7FD] =	sst s28;
	s23 =	simm.s32 $0x80E8;
	s1 =	sadd.s32 s1, s8  }
0x14: {  	s7 =	sshrl.u32 s7, $0x3;
	s15 =	sadd.s32 s9, s6;
	[dreg:$0x5] =	wrdreg s3  }
0x15: {  	s17 =	sadd.s32 s10, s16;
	s21 =	sadd.s32 s19, s2;
	[dreg:$0xf] =	wrdreg s4  }
0x16: {  	s3 =	simm.s32 $0x59D8;
	s6 =	simm.s32 $0x5DC0;
	[dreg:$0x4] =	wrdreg s1  }
0x17: {  	s8 =	simm.s32 $0x61A8;
	s9 =	simm.s32 $0x1770;
	[dreg:$0x8] =	wrdreg s21  }
0x18: {  	s16 =	simm.s32 $0x6D60;
	s19 =	simm.s32 $0x2710;
	[dreg:$0xe] =	wrdreg s3  }
0x19: {  	s4 =	simm.s32 $0x3E8;
	s1 =	sshrl.u32 s15, $0x3;
	[dreg:$0x10] =	wrdreg s6  }
0x1a: {  	s18 =	sadd.s32 $0x13880, s17;
	s20 =	sadd.s32 s7, s0;
	[dreg:$0x12] =	wrdreg s8  }
0x1b: {  	s7 =	simm.s32 $0x1388;
	[dreg:$0x13] =	wrdreg s9;
	s3 =	sadd.s32 $0x1FA00, s0  }
0x1c: {  	s15 =	simm.s32 $0x1F40;
	[dreg:$0x18] =	wrdreg s16;
	s17 =	simm.s32 $0x2328  }
0x1d: {  	[dreg:$0x1b] =	wrdreg s19;
	s21 =	simm.s32 $0x2AF8;
	s9 =	simm.s32 $0x1  }
0x1e: {  	s8 =	simm.s32 $0x2;
	s6 =	simm.s32 $0x3;
	[dreg:$0x7] =	wrdreg s18  }
0x1f: {  	s19 =	simm.s32 $0x88B8;
	s16 =	simm.s32 $0x4650;
	[dreg:$0x11] =	wrdreg s7  }
0x20: {  	s1 =	sadd.s32 s10, s1;
	s22 =	sadd.s32 $0x46C00, s20;
	[dreg:$0x17] =	wrdreg s15  }
0x21: {  	s10 =	simm.s32 $0x6590;
	[dreg:$0x6] =	wrdreg s1;
	s1 =	ssub.s32 s12, s14  }
0x22: {  	[dreg:$0x19] =	wrdreg s17;
	s18 =	simm.s32 $0x7148;
	s1 =	smax.u32 s1, $0x1  }
0x23: {  	s20 =	simm.s32 $0x7530;
	[dreg:$0x1d] =	wrdreg s21;
	s0 =	sadd.s32 $0xFFFFFFFF, s1  }
0x24: {  	s7 =	simm.s32 $0x9C40;
	[dreg:$0x9] =	wrdreg s22;
	p2 =	sne.s32 s0, $0x0  }
.Ltmp0:
0x25: {  	s21 =	simm.s32 $0x84D0;
	[dreg:$0x14] =	wrdreg s10;
	(pc) =	sbr.rel @!p2 .LBB2_1-.Ltmp0, $4  }
0x26: {  	s17 =	simm.s32 $0x8CA0;
	s15 =	simm.s32 $0x9088;
	[dreg:$0x1a] =	wrdreg s18  }
0x27: {  	[dreg:$0x1c] =	wrdreg s20;
	s22 =	simm.s32 $0x7918;
	s20 =	simm.s32 $0x3E80  }
0x28: {  	s18 =	simm.s32 $0x4268;
	s14 =	simm.s32 $0x4A38;
	s10 =	rddreg [dreg:$0x4]  }
0x29: {  	s12 =	simm.s32 $0x9858;
	[dreg:$0x1e] =	wrdreg s22;
	s22 =	simm.s32 $0x3A98  }
0x2a: {  	s1 =	simm.s32 @!p0 $0x0;
	s30 =	simm.s32 @!p0 $0x9C40;
	s28 =	simm.s32 @!p0 $0x4  }
0x2b: {  	[tilespmem:s30], [sflag:$0x4] =	stream.linear.gather @!p0 [hbm4b:s10+s1], $0x7D00, $0x38;
	[tilespmem:$0x1E460] =	vst v63  }
0x2c: {  	_ =	swait.ge @!p0 [sflag:s28], $0x7D00  }
0x2d: {  	[sflag:s28] =	ssyncset.done @!p0 $0x0  }
0x2e: {  	s1 =	rddreg [dreg:$0x5];
	[sflag:s28] =	ssyncadd.s32 @!p0 $0xFFFF8300  }
0x2f: {  	[spmem:s1] =	stream.linear.scatter @!p0 [tilespmem:s30], [sflag:$0x4], $0x7D00, $0x38;
	[tilespmem:$0x1E460] =	vst v63  }
0x30: {  	_ =	swait.ge @!p0 [sflag:s28], $0x7D00  }
0x31: {  	[sflag:s28] =	ssyncset.done @!p0 $0x0  }
0x32: {  	[sflag:s28] =	ssyncadd.s32 @!p0 $0xFFFF8300  }
0x33: {  	[bflag:$0x0] =	sbarrier.arrive $0xFFFF  }
0x34: {  	s10 =	rddreg [dreg:$0x6]  }
0x35: {  	[tilespmem:s24], [sflag:$0x4] =	stream.linear.gather [hbm4b:s10+s24], $0x4E20, $0x38;
	[tilespmem:$0x1E460] =	vst v63  }
0x36: {  	_ =	swait.ge [sflag:s26], $0x4E20  }
0x37: {  	[sflag:s26] =	ssyncset.done $0x0  }
0x38: {  	s10 =	rddreg [dreg:$0x7];
	[sflag:s26] =	ssyncadd.s32 $0xFFFFB1E0  }
0x39: {  	[tilespmem:s25], [sflag:$0x4] =	stream.linear.gather [hbm4b:s10+s24], $0x4E20, $0x38;
	[tilespmem:$0x1E460] =	vst v63  }
0x3a: {  	_ =	swait.ge [sflag:s26], $0x4E20  }
0x3b: {  	[sflag:s26] =	ssyncset.done $0x0  }
0x3c: {  	[sflag:s26] =	ssyncadd.s32 $0xFFFFB1E0  }
0x3d: {  	[tilespmem:s7], [sflag:$0x1] =	stream.indirect.gather [hbm4b:s3+s4], $0x20, s24, s4, $0xb8;
	[tilespmem:$0x1E460] =	vst v63  }
0x3e: {  	_ =	swait.ge [sflag:s9], $0x7D00  }
0x3f: {  	[sflag:s9] =	ssyncset.done $0x0  }
0x40: {  	[sflag:s9] =	ssyncadd.s32 $0xFFFF8300  }
0x41: {  	[spmem:s2] =	stream.indirect.scatter.add.f32 [tilespmem:s7], [sflag:$0x3], $0x20, s25, s4, $0xb8;
	[tilespmem:$0x1E460] =	vst v63  }
0x42: {  	_ = 	snop  }
0x43: {  	[tilespmem:s5], [sflag:$0x2] =	stream.indirect.gather [hbm4b:s3+s4], $0x20, s4, s4, $0xb8;
	[tilespmem:$0x1E460] =	vst v63  }
0x44: {  	_ =	swait.ge [sflag:s8], $0x7D00  }
0x45: {  	[sflag:s8] =	ssyncset.done $0x0  }
0x46: {  	[sflag:s8] =	ssyncadd.s32 $0xFFFF8300  }
0x47: {  	_ =	swait.ge [sflag:s6], $0x7D00  }
0x48: {  	[sflag:s6] =	ssyncset.done $0x0  }
0x49: {  	s1 =	rddreg [dreg:$0xa];
	[sflag:s6] =	ssyncadd.s32 $0xFFFF8300  }
0x4a: {  	[spmem:s2] =	stream.indirect.scatter.add.f32 [tilespmem:s5], [sflag:$0x3], $0x20, s1, s4, $0xb8;
	[tilespmem:$0x1E460] =	vst v63  }
0x4b: {  	s10 =	rddreg [dreg:$0xb]  }
0x4c: {  	[tilespmem:s7], [sflag:$0x1] =	stream.indirect.gather [hbm4b:s3+s4], $0x20, s10, s4, $0xb8;
	[tilespmem:$0x1E460] =	vst v63  }
0x4d: {  	_ =	swait.ge [sflag:s9], $0x7D00  }
0x4e: {  	[sflag:s9] =	ssyncset.done $0x0  }
0x4f: {  	[sflag:s9] =	ssyncadd.s32 $0xFFFF8300  }
0x50: {  	_ =	swait.ge [sflag:s6], $0x7D00  }
0x51: {  	[sflag:s6] =	ssyncset.done $0x0  }
0x52: {  	s1 =	rddreg [dreg:$0xc];
	[sflag:s6] =	ssyncadd.s32 $0xFFFF8300  }
0x53: {  	[spmem:s2] =	stream.indirect.scatter.add.f32 [tilespmem:s7], [sflag:$0x3], $0x20, s1, s4, $0xb8;
	[tilespmem:$0x1E460] =	vst v63  }
0x54: {  	s10 =	rddreg [dreg:$0xd]  }
0x55: {  	[tilespmem:s5], [sflag:$0x2] =	stream.indirect.gather [hbm4b:s3+s4], $0x20, s10, s4, $0xb8;
	[tilespmem:$0x1E460] =	vst v63  }
0x56: {  	_ =	swait.ge [sflag:s8], $0x7D00  }
0x57: {  	[sflag:s8] =	ssyncset.done $0x0  }
0x58: {  	[sflag:s8] =	ssyncadd.s32 $0xFFFF8300  }
0x59: {  	_ =	swait.ge [sflag:s6], $0x7D00  }
0x5a: {  	[sflag:s6] =	ssyncset.done $0x0  }
0x5b: {  	s1 =	rddreg [dreg:$0xe];
	[sflag:s6] =	ssyncadd.s32 $0xFFFF8300  }
0x5c: {  	[spmem:s2] =	stream.indirect.scatter.add.f32 [tilespmem:s5], [sflag:$0x3], $0x20, s1, s4, $0xb8;
	[tilespmem:$0x1E460] =	vst v63  }
0x5d: {  	s10 =	rddreg [dreg:$0xf]  }
0x5e: {  	[tilespmem:s7], [sflag:$0x1] =	stream.indirect.gather [hbm4b:s3+s4], $0x20, s10, s4, $0xb8;
	[tilespmem:$0x1E460] =	vst v63  }
0x5f: {  	_ =	swait.ge [sflag:s9], $0x7D00  }
0x60: {  	[sflag:s9] =	ssyncset.done $0x0  }
0x61: {  	[sflag:s9] =	ssyncadd.s32 $0xFFFF8300  }
0x62: {  	_ =	swait.ge [sflag:s6], $0x7D00  }
0x63: {  	[sflag:s6] =	ssyncset.done $0x0  }
0x64: {  	s1 =	rddreg [dreg:$0x10];
	[sflag:s6] =	ssyncadd.s32 $0xFFFF8300  }
0x65: {  	[spmem:s2] =	stream.indirect.scatter.add.f32 [tilespmem:s7], [sflag:$0x3], $0x20, s1, s4, $0xb8;
	[tilespmem:$0x1E460] =	vst v63  }
0x66: {  	s10 =	rddreg [dreg:$0x11]  }
0x67: {  	[tilespmem:s5], [sflag:$0x2] =	stream.indirect.gather [hbm4b:s3+s4], $0x20, s10, s4, $0xb8;
	[tilespmem:$0x1E460] =	vst v63  }
0x68: {  	_ =	swait.ge [sflag:s8], $0x7D00  }
0x69: {  	[sflag:s8] =	ssyncset.done $0x0  }
0x6a: {  	[sflag:s8] =	ssyncadd.s32 $0xFFFF8300  }
0x6b: {  	_ =	swait.ge [sflag:s6], $0x7D00  }
0x6c: {  	[sflag:s6] =	ssyncset.done $0x0  }
0x6d: {  	s1 =	rddreg [dreg:$0x12];
	[sflag:s6] =	ssyncadd.s32 $0xFFFF8300  }
0x6e: {  	[spmem:s2] =	stream.indirect.scatter.add.f32 [tilespmem:s5], [sflag:$0x3], $0x20, s1, s4, $0xb8;
	[tilespmem:$0x1E460] =	vst v63  }
0x6f: {  	s10 =	rddreg [dreg:$0x13]  }
0x70: {  	[tilespmem:s7], [sflag:$0x1] =	stream.indirect.gather [hbm4b:s3+s4], $0x20, s10, s4, $0xb8;
	[tilespmem:$0x1E460] =	vst v63  }
0x71: {  	_ =	swait.ge [sflag:s9], $0x7D00  }
0x72: {  	[sflag:s9] =	ssyncset.done $0x0  }
0x73: {  	[sflag:s9] =	ssyncadd.s32 $0xFFFF8300  }
0x74: {  	_ =	swait.ge [sflag:s6], $0x7D00  }
0x75: {  	[sflag:s6] =	ssyncset.done $0x0  }
0x76: {  	s1 =	rddreg [dreg:$0x14];
	[sflag:s6] =	ssyncadd.s32 $0xFFFF8300  }
0x77: {  	[spmem:s2] =	stream.indirect.scatter.add.f32 [tilespmem:s7], [sflag:$0x3], $0x20, s1, s4, $0xb8;
	[tilespmem:$0x1E460] =	vst v63  }
0x78: {  	s10 =	rddreg [dreg:$0x15]  }
0x79: {  	[tilespmem:s5], [sflag:$0x2] =	stream.indirect.gather [hbm4b:s3+s4], $0x20, s10, s4, $0xb8;
	[tilespmem:$0x1E460] =	vst v63  }
0x7a: {  	_ =	swait.ge [sflag:s8], $0x7D00  }
0x7b: {  	[sflag:s8] =	ssyncset.done $0x0  }
0x7c: {  	[sflag:s8] =	ssyncadd.s32 $0xFFFF8300  }
0x7d: {  	_ =	swait.ge [sflag:s6], $0x7D00  }
0x7e: {  	[sflag:s6] =	ssyncset.done $0x0  }
0x7f: {  	s1 =	rddreg [dreg:$0x16];
	[sflag:s6] =	ssyncadd.s32 $0xFFFF8300  }
0x80: {  	[spmem:s2] =	stream.indirect.scatter.add.f32 [tilespmem:s5], [sflag:$0x3], $0x20, s1, s4, $0xb8;
	[tilespmem:$0x1E460] =	vst v63  }
0x81: {  	s10 =	rddreg [dreg:$0x17]  }
0x82: {  	[tilespmem:s7], [sflag:$0x1] =	stream.indirect.gather [hbm4b:s3+s4], $0x20, s10, s4, $0xb8;
	[tilespmem:$0x1E460] =	vst v63  }
0x83: {  	_ =	swait.ge [sflag:s9], $0x7D00  }
0x84: {  	[sflag:s9] =	ssyncset.done $0x0  }
0x85: {  	[sflag:s9] =	ssyncadd.s32 $0xFFFF8300  }
0x86: {  	_ =	swait.ge [sflag:s6], $0x7D00  }
0x87: {  	[sflag:s6] =	ssyncset.done $0x0  }
0x88: {  	s1 =	rddreg [dreg:$0x18];
	[sflag:s6] =	ssyncadd.s32 $0xFFFF8300  }
0x89: {  	[spmem:s2] =	stream.indirect.scatter.add.f32 [tilespmem:s7], [sflag:$0x3], $0x20, s1, s4, $0xb8;
	[tilespmem:$0x1E460] =	vst v63  }
0x8a: {  	s10 =	rddreg [dreg:$0x19]  }
0x8b: {  	[tilespmem:s5], [sflag:$0x2] =	stream.indirect.gather [hbm4b:s3+s4], $0x20, s10, s4, $0xb8;
	[tilespmem:$0x1E460] =	vst v63  }
0x8c: {  	_ =	swait.ge [sflag:s8], $0x7D00  }
0x8d: {  	[sflag:s8] =	ssyncset.done $0x0  }
0x8e: {  	[sflag:s8] =	ssyncadd.s32 $0xFFFF8300  }
0x8f: {  	_ =	swait.ge [sflag:s6], $0x7D00  }
0x90: {  	[sflag:s6] =	ssyncset.done $0x0  }
0x91: {  	s1 =	rddreg [dreg:$0x1a];
	[sflag:s6] =	ssyncadd.s32 $0xFFFF8300  }
0x92: {  	[spmem:s2] =	stream.indirect.scatter.add.f32 [tilespmem:s5], [sflag:$0x3], $0x20, s1, s4, $0xb8;
	[tilespmem:$0x1E460] =	vst v63  }
0x93: {  	s10 =	rddreg [dreg:$0x1b]  }
0x94: {  	[tilespmem:s7], [sflag:$0x1] =	stream.indirect.gather [hbm4b:s3+s4], $0x20, s10, s4, $0xb8;
	[tilespmem:$0x1E460] =	vst v63  }
0x95: {  	_ =	swait.ge [sflag:s9], $0x7D00  }
0x96: {  	[sflag:s9] =	ssyncset.done $0x0  }
0x97: {  	[sflag:s9] =	ssyncadd.s32 $0xFFFF8300  }
0x98: {  	_ =	swait.ge [sflag:s6], $0x7D00  }
0x99: {  	[sflag:s6] =	ssyncset.done $0x0  }
0x9a: {  	s1 =	rddreg [dreg:$0x1c];
	[sflag:s6] =	ssyncadd.s32 $0xFFFF8300  }
0x9b: {  	[spmem:s2] =	stream.indirect.scatter.add.f32 [tilespmem:s7], [sflag:$0x3], $0x20, s1, s4, $0xb8;
	[tilespmem:$0x1E460] =	vst v63  }
0x9c: {  	s10 =	rddreg [dreg:$0x1d]  }
0x9d: {  	[tilespmem:s5], [sflag:$0x2] =	stream.indirect.gather [hbm4b:s3+s4], $0x20, s10, s4, $0xb8;
	[tilespmem:$0x1E460] =	vst v63  }
0x9e: {  	_ =	swait.ge [sflag:s8], $0x7D00  }
0x9f: {  	[sflag:s8] =	ssyncset.done $0x0  }
0xa0: {  	[sflag:s8] =	ssyncadd.s32 $0xFFFF8300  }
0xa1: {  	_ =	swait.ge [sflag:s6], $0x7D00  }
0xa2: {  	[sflag:s6] =	ssyncset.done $0x0  }
0xa3: {  	s1 =	rddreg [dreg:$0x1e];
	[sflag:s6] =	ssyncadd.s32 $0xFFFF8300  }
0xa4: {  	[spmem:s2] =	stream.indirect.scatter.add.f32 [tilespmem:s5], [sflag:$0x3], $0x20, s1, s4, $0xb8;
	[tilespmem:$0x1E460] =	vst v63  }
0xa5: {  	s10 =	rddreg [dreg:$0x1f]  }
0xa6: {  	[tilespmem:s7], [sflag:$0x1] =	stream.indirect.gather [hbm4b:s3+s4], $0x20, s10, s4, $0xb8;
	[tilespmem:$0x1E460] =	vst v63  }
0xa7: {  	_ =	swait.ge [sflag:s9], $0x7D00  }
0xa8: {  	[sflag:s9] =	ssyncset.done $0x0  }
0xa9: {  	[sflag:s9] =	ssyncadd.s32 $0xFFFF8300  }
0xaa: {  	_ =	swait.ge [sflag:s6], $0x7D00  }
0xab: {  	s10 =	sld [smem:$0x7FD]  }
0xac: {  	[sflag:s6] =	ssyncset.done $0x0  }
0xad: {  	[sflag:s6] =	ssyncadd.s32 $0xFFFF8300  }
0xae: {  	[spmem:s2] =	stream.indirect.scatter.add.f32 [tilespmem:s7], [sflag:$0x3], $0x20, s10, s4, $0xb8;
	[tilespmem:$0x1E460] =	vst v63  }
0xaf: {  	_ = 	snop  }
0xb0: {  	[tilespmem:s5], [sflag:$0x2] =	stream.indirect.gather [hbm4b:s3+s4], $0x20, s11, s4, $0xb8;
	[tilespmem:$0x1E460] =	vst v63  }
0xb1: {  	_ =	swait.ge [sflag:s8], $0x7D00  }
0xb2: {  	[sflag:s8] =	ssyncset.done $0x0  }
0xb3: {  	[sflag:s8] =	ssyncadd.s32 $0xFFFF8300  }
0xb4: {  	_ =	swait.ge [sflag:s6], $0x7D00  }
0xb5: {  	[sflag:s6] =	ssyncset.done $0x0  }
0xb6: {  	[sflag:s6] =	ssyncadd.s32 $0xFFFF8300  }
0xb7: {  	[spmem:s2] =	stream.indirect.scatter.add.f32 [tilespmem:s5], [sflag:$0x3], $0x20, s23, s4, $0xb8;
	[tilespmem:$0x1E460] =	vst v63  }
0xb8: {  	_ = 	snop  }
0xb9: {  	[tilespmem:s7], [sflag:$0x1] =	stream.indirect.gather [hbm4b:s3+s4], $0x20, s31, s4, $0xb8;
	[tilespmem:$0x1E460] =	vst v63  }
0xba: {  	_ =	swait.ge [sflag:s9], $0x7D00  }
0xbb: {  	[sflag:s9] =	ssyncset.done $0x0  }
0xbc: {  	[sflag:s9] =	ssyncadd.s32 $0xFFFF8300  }
0xbd: {  	_ =	swait.ge [sflag:s6], $0x7D00  }
0xbe: {  	[sflag:s6] =	ssyncset.done $0x0  }
0xbf: {  	[sflag:s6] =	ssyncadd.s32 $0xFFFF8300  }
0xc0: {  	[spmem:s2] =	stream.indirect.scatter.add.f32 [tilespmem:s7], [sflag:$0x3], $0x20, s21, s4, $0xb8;
	[tilespmem:$0x1E460] =	vst v63  }
0xc1: {  	_ = 	snop  }
0xc2: {  	[tilespmem:s5], [sflag:$0x2] =	stream.indirect.gather [hbm4b:s3+s4], $0x20, s22, s4, $0xb8;
	[tilespmem:$0x1E460] =	vst v63  }
0xc3: {  	_ =	swait.ge [sflag:s8], $0x7D00  }
0xc4: {  	[sflag:s8] =	ssyncset.done $0x0  }
0xc5: {  	[sflag:s8] =	ssyncadd.s32 $0xFFFF8300  }
0xc6: {  	_ =	swait.ge [sflag:s6], $0x7D00  }
0xc7: {  	[sflag:s6] =	ssyncset.done $0x0  }
0xc8: {  	[sflag:s6] =	ssyncadd.s32 $0xFFFF8300  }
0xc9: {  	[spmem:s2] =	stream.indirect.scatter.add.f32 [tilespmem:s5], [sflag:$0x3], $0x20, s19, s4, $0xb8;
	[tilespmem:$0x1E460] =	vst v63  }
0xca: {  	_ = 	snop  }
0xcb: {  	[tilespmem:s7], [sflag:$0x1] =	stream.indirect.gather [hbm4b:s3+s4], $0x20, s20, s4, $0xb8;
	[tilespmem:$0x1E460] =	vst v63  }
0xcc: {  	_ =	swait.ge [sflag:s9], $0x7D00  }
0xcd: {  	[sflag:s9] =	ssyncset.done $0x0  }
0xce: {  	[sflag:s9] =	ssyncadd.s32 $0xFFFF8300  }
0xcf: {  	_ =	swait.ge [sflag:s6], $0x7D00  }
0xd0: {  	[sflag:s6] =	ssyncset.done $0x0  }
0xd1: {  	[sflag:s6] =	ssyncadd.s32 $0xFFFF8300  }
0xd2: {  	[spmem:s2] =	stream.indirect.scatter.add.f32 [tilespmem:s7], [sflag:$0x3], $0x20, s17, s4, $0xb8;
	[tilespmem:$0x1E460] =	vst v63  }
0xd3: {  	_ = 	snop  }
0xd4: {  	[tilespmem:s5], [sflag:$0x2] =	stream.indirect.gather [hbm4b:s3+s4], $0x20, s18, s4, $0xb8;
	[tilespmem:$0x1E460] =	vst v63  }
0xd5: {  	_ =	swait.ge [sflag:s8], $0x7D00  }
0xd6: {  	[sflag:s8] =	ssyncset.done $0x0  }
0xd7: {  	[sflag:s8] =	ssyncadd.s32 $0xFFFF8300  }
0xd8: {  	_ =	swait.ge [sflag:s6], $0x7D00  }
0xd9: {  	[sflag:s6] =	ssyncset.done $0x0  }
0xda: {  	[sflag:s6] =	ssyncadd.s32 $0xFFFF8300  }
0xdb: {  	[spmem:s2] =	stream.indirect.scatter.add.f32 [tilespmem:s5], [sflag:$0x3], $0x20, s15, s4, $0xb8;
	[tilespmem:$0x1E460] =	vst v63  }
0xdc: {  	_ = 	snop  }
0xdd: {  	[tilespmem:s7], [sflag:$0x1] =	stream.indirect.gather [hbm4b:s3+s4], $0x20, s16, s4, $0xb8;
	[tilespmem:$0x1E460] =	vst v63  }
0xde: {  	_ =	swait.ge [sflag:s9], $0x7D00  }
0xdf: {  	[sflag:s9] =	ssyncset.done $0x0  }
0xe0: {  	[sflag:s9] =	ssyncadd.s32 $0xFFFF8300  }
0xe1: {  	_ =	swait.ge [sflag:s6], $0x7D00  }
0xe2: {  	[sflag:s6] =	ssyncset.done $0x0  }
0xe3: {  	[sflag:s6] =	ssyncadd.s32 $0xFFFF8300  }
0xe4: {  	[spmem:s2] =	stream.indirect.scatter.add.f32 [tilespmem:s7], [sflag:$0x3], $0x20, s13, s4, $0xb8;
	[tilespmem:$0x1E460] =	vst v63  }
0xe5: {  	_ = 	snop  }
0xe6: {  	[tilespmem:s5], [sflag:$0x2] =	stream.indirect.gather [hbm4b:s3+s4], $0x20, s14, s4, $0xb8;
	[tilespmem:$0x1E460] =	vst v63  }
0xe7: {  	_ =	swait.ge [sflag:s8], $0x7D00  }
0xe8: {  	[sflag:s8] =	ssyncset.done $0x0  }
0xe9: {  	[sflag:s8] =	ssyncadd.s32 $0xFFFF8300  }
0xea: {  	_ =	swait.ge [sflag:s6], $0x7D00  }
0xeb: {  	[sflag:s6] =	ssyncset.done $0x0  }
0xec: {  	s29 =	simm.s32 $0x36B0;
	[sflag:s6] =	ssyncadd.s32 $0xFFFF8300  }
0xed: {  	[spmem:s2] =	stream.indirect.scatter.add.f32 [tilespmem:s5], [sflag:$0x3], $0x20, s12, s4, $0xb8;
	[tilespmem:$0x1E460] =	vst v63  }
0xee: {  	p1 =	por $0x1, $0x1;
	s23 =	simm.s32 $0x80E8;
	_ =	swait.ge [sflag:s6], $0x7D00  }
0xef: {  	s31 =	sadd.s32 $0xFFFFFFFF, s0;
	s0 =	simm.s32 @!p0 $0x20;
	[sflag:s6] =	ssyncset.done $0x0  }
0xf0: {  	p2 =	sne.s32 s31, $0x0;
	s21 =	simm.s32 $0x84D0;
	[sflag:s6] =	ssyncadd.s32 $0xFFFF8300  }
0xf1: {  	s22 =	simm.s32 $0x3A98;
	s19 =	simm.s32 $0x88B8;
	[bflag:$0x0] =	sbarrier.arrive $0xFFFF  }
0xf2: {  	s20 =	simm.s32 $0x3E80;
	s17 =	simm.s32 $0x8CA0;
	s1 =	rddreg [dreg:$0x8]  }
0xf3: {  	[tilespmem:s30], [sflag:$0x4] =	stream.linear.gather @!p0 [spmem:s1], $0x7D00, $0x38;
	[tilespmem:$0x1E460] =	vst v63  }
0xf4: {  	s18 =	simm.s32 $0x4268;
	s15 =	simm.s32 $0x9088;
	_ =	swait.ge @!p0 [sflag:s28], $0x7D00  }
.Ltmp1:
0xf5: {  	s16 =	simm.s32 $0x4650;
	[sflag:s28] =	ssyncset.done @!p0 $0x0;
	(pc) =	sbr.rel @!p2 .LBB2_3-.Ltmp1, $4  }
0xf6: {  	s1 =	simm.s32 @!p0 $0x80;
	s10 =	rddreg [dreg:$0x9];
	[sflag:s28] =	ssyncadd.s32 @!p0 $0xFFFF8300  }
0xf7: {  	[hbm4b:s10+s0] =	stream.strided.scatter @!p0 [tilespmem:s30], [sflag:$0x4], $0x7D00, s1, s0, $0x38;
	[tilespmem:$0x1E460] =	vst v63  }
0xf8: {  	s13 =	simm.s32 $0x9470;
	s14 =	simm.s32 $0x4A38;
	_ =	swait.ge @!p0 [sflag:s28], $0x7D00  }
0xf9: {  	s12 =	simm.s32 $0x9858;
	s10 =	rddreg [dreg:$0x4];
	[sflag:s28] =	ssyncset.done @!p0 $0x0  }
.LBB2_4:
0xfa: {  	[sflag:s28] =	ssyncadd.s32 @!p0 $0xFFFF8300;
	s11 =	simm.s32 @!p0 $0x0  }
0xfb: {  	[tilespmem:s30], [sflag:$0x4] =	stream.linear.gather @!p0 [hbm4b:s10+s11], $0x7D00, $0x38;
	[tilespmem:$0x1E460] =	vst v63  }
0xfc: {  	_ =	swait.ge @!p0 [sflag:s28], $0x7D00  }
0xfd: {  	[sflag:s28] =	ssyncset.done @!p0 $0x0  }
0xfe: {  	s10 =	rddreg [dreg:$0x5];
	[sflag:s28] =	ssyncadd.s32 @!p0 $0xFFFF8300  }
0xff: {  	[spmem:s10] =	stream.linear.scatter @!p0 [tilespmem:s30], [sflag:$0x4], $0x7D00, $0x38;
	[tilespmem:$0x1E460] =	vst v63  }
0x100: {  	_ =	swait.ge @!p0 [sflag:s28], $0x7D00  }
0x101: {  	[sflag:s28] =	ssyncset.done @!p0 $0x0  }
0x102: {  	[sflag:s28] =	ssyncadd.s32 @!p0 $0xFFFF8300  }
0x103: {  	[bflag:$0x0] =	sbarrier.arrive $0xFFFF  }
0x104: {  	s11 =	rddreg [dreg:$0x6]  }
0x105: {  	[tilespmem:s24], [sflag:$0x4] =	stream.linear.gather [hbm4b:s11+s24], $0x4E20, $0x38;
	[tilespmem:$0x1E460] =	vst v63  }
0x106: {  	_ =	swait.ge [sflag:s26], $0x4E20  }
0x107: {  	[sflag:s26] =	ssyncset.done $0x0  }
0x108: {  	s11 =	rddreg [dreg:$0x7];
	[sflag:s26] =	ssyncadd.s32 $0xFFFFB1E0  }
0x109: {  	[tilespmem:s25], [sflag:$0x4] =	stream.linear.gather [hbm4b:s11+s24], $0x4E20, $0x38;
	[tilespmem:$0x1E460] =	vst v63  }
0x10a: {  	_ =	swait.ge [sflag:s26], $0x4E20  }
0x10b: {  	[sflag:s26] =	ssyncset.done $0x0  }
0x10c: {  	[sflag:s26] =	ssyncadd.s32 $0xFFFFB1E0  }
0x10d: {  	[tilespmem:s7], [sflag:$0x1] =	stream.indirect.gather [hbm4b:s3+s4], $0x20, s24, s4, $0xb8;
	[tilespmem:$0x1E460] =	vst v63  }
0x10e: {  	_ =	swait.ge [sflag:s9], $0x7D00  }
0x10f: {  	[sflag:s9] =	ssyncset.done $0x0  }
0x110: {  	[sflag:s9] =	ssyncadd.s32 $0xFFFF8300  }
0x111: {  	[spmem:s2] =	stream.indirect.scatter.add.f32 [tilespmem:s7], [sflag:$0x3], $0x20, s25, s4, $0xb8;
	[tilespmem:$0x1E460] =	vst v63  }
0x112: {  	_ = 	snop  }
0x113: {  	[tilespmem:s5], [sflag:$0x2] =	stream.indirect.gather [hbm4b:s3+s4], $0x20, s4, s4, $0xb8;
	[tilespmem:$0x1E460] =	vst v63  }
0x114: {  	_ =	swait.ge [sflag:s8], $0x7D00  }
0x115: {  	[sflag:s8] =	ssyncset.done $0x0  }
0x116: {  	[sflag:s8] =	ssyncadd.s32 $0xFFFF8300  }
0x117: {  	_ =	swait.ge [sflag:s6], $0x7D00  }
0x118: {  	[sflag:s6] =	ssyncset.done $0x0  }
0x119: {  	s10 =	rddreg [dreg:$0xa];
	[sflag:s6] =	ssyncadd.s32 $0xFFFF8300  }
0x11a: {  	[spmem:s2] =	stream.indirect.scatter.add.f32 [tilespmem:s5], [sflag:$0x3], $0x20, s10, s4, $0xb8;
	[tilespmem:$0x1E460] =	vst v63  }
0x11b: {  	s11 =	rddreg [dreg:$0xb]  }
0x11c: {  	[tilespmem:s7], [sflag:$0x1] =	stream.indirect.gather [hbm4b:s3+s4], $0x20, s11, s4, $0xb8;
	[tilespmem:$0x1E460] =	vst v63  }
0x11d: {  	_ =	swait.ge [sflag:s9], $0x7D00  }
0x11e: {  	[sflag:s9] =	ssyncset.done $0x0  }
0x11f: {  	[sflag:s9] =	ssyncadd.s32 $0xFFFF8300  }
0x120: {  	_ =	swait.ge [sflag:s6], $0x7D00  }
0x121: {  	[sflag:s6] =	ssyncset.done $0x0  }
0x122: {  	s10 =	rddreg [dreg:$0xc];
	[sflag:s6] =	ssyncadd.s32 $0xFFFF8300  }
0x123: {  	[spmem:s2] =	stream.indirect.scatter.add.f32 [tilespmem:s7], [sflag:$0x3], $0x20, s10, s4, $0xb8;
	[tilespmem:$0x1E460] =	vst v63  }
0x124: {  	s11 =	rddreg [dreg:$0xd]  }
0x125: {  	[tilespmem:s5], [sflag:$0x2] =	stream.indirect.gather [hbm4b:s3+s4], $0x20, s11, s4, $0xb8;
	[tilespmem:$0x1E460] =	vst v63  }
0x126: {  	_ =	swait.ge [sflag:s8], $0x7D00  }
0x127: {  	[sflag:s8] =	ssyncset.done $0x0  }
0x128: {  	[sflag:s8] =	ssyncadd.s32 $0xFFFF8300  }
0x129: {  	_ =	swait.ge [sflag:s6], $0x7D00  }
0x12a: {  	[sflag:s6] =	ssyncset.done $0x0  }
0x12b: {  	s10 =	rddreg [dreg:$0xe];
	[sflag:s6] =	ssyncadd.s32 $0xFFFF8300  }
0x12c: {  	[spmem:s2] =	stream.indirect.scatter.add.f32 [tilespmem:s5], [sflag:$0x3], $0x20, s10, s4, $0xb8;
	[tilespmem:$0x1E460] =	vst v63  }
0x12d: {  	s11 =	rddreg [dreg:$0xf]  }
0x12e: {  	[tilespmem:s7], [sflag:$0x1] =	stream.indirect.gather [hbm4b:s3+s4], $0x20, s11, s4, $0xb8;
	[tilespmem:$0x1E460] =	vst v63  }
0x12f: {  	_ =	swait.ge [sflag:s9], $0x7D00  }
0x130: {  	[sflag:s9] =	ssyncset.done $0x0  }
0x131: {  	[sflag:s9] =	ssyncadd.s32 $0xFFFF8300  }
0x132: {  	_ =	swait.ge [sflag:s6], $0x7D00  }
0x133: {  	[sflag:s6] =	ssyncset.done $0x0  }
0x134: {  	s10 =	rddreg [dreg:$0x10];
	[sflag:s6] =	ssyncadd.s32 $0xFFFF8300  }
0x135: {  	[spmem:s2] =	stream.indirect.scatter.add.f32 [tilespmem:s7], [sflag:$0x3], $0x20, s10, s4, $0xb8;
	[tilespmem:$0x1E460] =	vst v63  }
0x136: {  	s11 =	rddreg [dreg:$0x11]  }
0x137: {  	[tilespmem:s5], [sflag:$0x2] =	stream.indirect.gather [hbm4b:s3+s4], $0x20, s11, s4, $0xb8;
	[tilespmem:$0x1E460] =	vst v63  }
0x138: {  	_ =	swait.ge [sflag:s8], $0x7D00  }
0x139: {  	[sflag:s8] =	ssyncset.done $0x0  }
0x13a: {  	[sflag:s8] =	ssyncadd.s32 $0xFFFF8300  }
0x13b: {  	_ =	swait.ge [sflag:s6], $0x7D00  }
0x13c: {  	[sflag:s6] =	ssyncset.done $0x0  }
0x13d: {  	s10 =	rddreg [dreg:$0x12];
	[sflag:s6] =	ssyncadd.s32 $0xFFFF8300  }
0x13e: {  	[spmem:s2] =	stream.indirect.scatter.add.f32 [tilespmem:s5], [sflag:$0x3], $0x20, s10, s4, $0xb8;
	[tilespmem:$0x1E460] =	vst v63  }
0x13f: {  	s11 =	rddreg [dreg:$0x13]  }
0x140: {  	[tilespmem:s7], [sflag:$0x1] =	stream.indirect.gather [hbm4b:s3+s4], $0x20, s11, s4, $0xb8;
	[tilespmem:$0x1E460] =	vst v63  }
0x141: {  	_ =	swait.ge [sflag:s9], $0x7D00  }
0x142: {  	[sflag:s9] =	ssyncset.done $0x0  }
0x143: {  	[sflag:s9] =	ssyncadd.s32 $0xFFFF8300  }
0x144: {  	_ =	swait.ge [sflag:s6], $0x7D00  }
0x145: {  	[sflag:s6] =	ssyncset.done $0x0  }
0x146: {  	s10 =	rddreg [dreg:$0x14];
	[sflag:s6] =	ssyncadd.s32 $0xFFFF8300  }
0x147: {  	[spmem:s2] =	stream.indirect.scatter.add.f32 [tilespmem:s7], [sflag:$0x3], $0x20, s10, s4, $0xb8;
	[tilespmem:$0x1E460] =	vst v63  }
0x148: {  	s11 =	rddreg [dreg:$0x15]  }
0x149: {  	[tilespmem:s5], [sflag:$0x2] =	stream.indirect.gather [hbm4b:s3+s4], $0x20, s11, s4, $0xb8;
	[tilespmem:$0x1E460] =	vst v63  }
0x14a: {  	_ =	swait.ge [sflag:s8], $0x7D00  }
0x14b: {  	[sflag:s8] =	ssyncset.done $0x0  }
0x14c: {  	[sflag:s8] =	ssyncadd.s32 $0xFFFF8300  }
0x14d: {  	_ =	swait.ge [sflag:s6], $0x7D00  }
0x14e: {  	[sflag:s6] =	ssyncset.done $0x0  }
0x14f: {  	s10 =	rddreg [dreg:$0x16];
	[sflag:s6] =	ssyncadd.s32 $0xFFFF8300  }
0x150: {  	[spmem:s2] =	stream.indirect.scatter.add.f32 [tilespmem:s5], [sflag:$0x3], $0x20, s10, s4, $0xb8;
	[tilespmem:$0x1E460] =	vst v63  }
0x151: {  	s11 =	rddreg [dreg:$0x17]  }
0x152: {  	[tilespmem:s7], [sflag:$0x1] =	stream.indirect.gather [hbm4b:s3+s4], $0x20, s11, s4, $0xb8;
	[tilespmem:$0x1E460] =	vst v63  }
0x153: {  	_ =	swait.ge [sflag:s9], $0x7D00  }
0x154: {  	[sflag:s9] =	ssyncset.done $0x0  }
0x155: {  	[sflag:s9] =	ssyncadd.s32 $0xFFFF8300  }
0x156: {  	_ =	swait.ge [sflag:s6], $0x7D00  }
0x157: {  	[sflag:s6] =	ssyncset.done $0x0  }
0x158: {  	s10 =	rddreg [dreg:$0x18];
	[sflag:s6] =	ssyncadd.s32 $0xFFFF8300  }
0x159: {  	[spmem:s2] =	stream.indirect.scatter.add.f32 [tilespmem:s7], [sflag:$0x3], $0x20, s10, s4, $0xb8;
	[tilespmem:$0x1E460] =	vst v63  }
0x15a: {  	s11 =	rddreg [dreg:$0x19]  }
0x15b: {  	[tilespmem:s5], [sflag:$0x2] =	stream.indirect.gather [hbm4b:s3+s4], $0x20, s11, s4, $0xb8;
	[tilespmem:$0x1E460] =	vst v63  }
0x15c: {  	_ =	swait.ge [sflag:s8], $0x7D00  }
0x15d: {  	[sflag:s8] =	ssyncset.done $0x0  }
0x15e: {  	[sflag:s8] =	ssyncadd.s32 $0xFFFF8300  }
0x15f: {  	_ =	swait.ge [sflag:s6], $0x7D00  }
0x160: {  	[sflag:s6] =	ssyncset.done $0x0  }
0x161: {  	s10 =	rddreg [dreg:$0x1a];
	[sflag:s6] =	ssyncadd.s32 $0xFFFF8300  }
0x162: {  	[spmem:s2] =	stream.indirect.scatter.add.f32 [tilespmem:s5], [sflag:$0x3], $0x20, s10, s4, $0xb8;
	[tilespmem:$0x1E460] =	vst v63  }
0x163: {  	s11 =	rddreg [dreg:$0x1b]  }
0x164: {  	[tilespmem:s7], [sflag:$0x1] =	stream.indirect.gather [hbm4b:s3+s4], $0x20, s11, s4, $0xb8;
	[tilespmem:$0x1E460] =	vst v63  }
0x165: {  	_ =	swait.ge [sflag:s9], $0x7D00  }
0x166: {  	[sflag:s9] =	ssyncset.done $0x0  }
0x167: {  	[sflag:s9] =	ssyncadd.s32 $0xFFFF8300  }
0x168: {  	_ =	swait.ge [sflag:s6], $0x7D00  }
0x169: {  	[sflag:s6] =	ssyncset.done $0x0  }
0x16a: {  	s10 =	rddreg [dreg:$0x1c];
	[sflag:s6] =	ssyncadd.s32 $0xFFFF8300  }
0x16b: {  	[spmem:s2] =	stream.indirect.scatter.add.f32 [tilespmem:s7], [sflag:$0x3], $0x20, s10, s4, $0xb8;
	[tilespmem:$0x1E460] =	vst v63  }
0x16c: {  	s11 =	rddreg [dreg:$0x1d]  }
0x16d: {  	[tilespmem:s5], [sflag:$0x2] =	stream.indirect.gather [hbm4b:s3+s4], $0x20, s11, s4, $0xb8;
	[tilespmem:$0x1E460] =	vst v63  }
0x16e: {  	_ =	swait.ge [sflag:s8], $0x7D00  }
0x16f: {  	[sflag:s8] =	ssyncset.done $0x0  }
0x170: {  	[sflag:s8] =	ssyncadd.s32 $0xFFFF8300  }
0x171: {  	_ =	swait.ge [sflag:s6], $0x7D00  }
0x172: {  	[sflag:s6] =	ssyncset.done $0x0  }
0x173: {  	s10 =	rddreg [dreg:$0x1e];
	[sflag:s6] =	ssyncadd.s32 $0xFFFF8300  }
0x174: {  	[spmem:s2] =	stream.indirect.scatter.add.f32 [tilespmem:s5], [sflag:$0x3], $0x20, s10, s4, $0xb8;
	[tilespmem:$0x1E460] =	vst v63  }
0x175: {  	s11 =	rddreg [dreg:$0x1f]  }
0x176: {  	[tilespmem:s7], [sflag:$0x1] =	stream.indirect.gather [hbm4b:s3+s4], $0x20, s11, s4, $0xb8;
	[tilespmem:$0x1E460] =	vst v63  }
0x177: {  	_ =	swait.ge [sflag:s9], $0x7D00  }
0x178: {  	[sflag:s9] =	ssyncset.done $0x0  }
0x179: {  	[sflag:s9] =	ssyncadd.s32 $0xFFFF8300  }
0x17a: {  	_ =	swait.ge [sflag:s6], $0x7D00  }
0x17b: {  	s10 =	sld [smem:$0x7FD]  }
0x17c: {  	[sflag:s6] =	ssyncset.done $0x0  }
0x17d: {  	[sflag:s6] =	ssyncadd.s32 $0xFFFF8300  }
0x17e: {  	[spmem:s2] =	stream.indirect.scatter.add.f32 [tilespmem:s7], [sflag:$0x3], $0x20, s10, s4, $0xb8;
	[tilespmem:$0x1E460] =	vst v63  }
0x17f: {  	s11 =	simm.s32 $0x32C8  }
0x180: {  	[tilespmem:s5], [sflag:$0x2] =	stream.indirect.gather [hbm4b:s3+s4], $0x20, s11, s4, $0xb8;
	[tilespmem:$0x1E460] =	vst v63  }
0x181: {  	_ =	swait.ge [sflag:s8], $0x7D00  }
0x182: {  	[sflag:s8] =	ssyncset.done $0x0  }
0x183: {  	[sflag:s8] =	ssyncadd.s32 $0xFFFF8300  }
0x184: {  	_ =	swait.ge [sflag:s6], $0x7D00  }
0x185: {  	[sflag:s6] =	ssyncset.done $0x0  }
0x186: {  	[sflag:s6] =	ssyncadd.s32 $0xFFFF8300  }
0x187: {  	[spmem:s2] =	stream.indirect.scatter.add.f32 [tilespmem:s5], [sflag:$0x3], $0x20, s23, s4, $0xb8;
	[tilespmem:$0x1E460] =	vst v63  }
0x188: {  	_ = 	snop  }
0x189: {  	[tilespmem:s7], [sflag:$0x1] =	stream.indirect.gather [hbm4b:s3+s4], $0x20, s29, s4, $0xb8;
	[tilespmem:$0x1E460] =	vst v63  }
0x18a: {  	_ =	swait.ge [sflag:s9], $0x7D00  }
0x18b: {  	[sflag:s9] =	ssyncset.done $0x0  }
0x18c: {  	[sflag:s9] =	ssyncadd.s32 $0xFFFF8300  }
0x18d: {  	_ =	swait.ge [sflag:s6], $0x7D00  }
0x18e: {  	[sflag:s6] =	ssyncset.done $0x0  }
0x18f: {  	[sflag:s6] =	ssyncadd.s32 $0xFFFF8300  }
0x190: {  	[spmem:s2] =	stream.indirect.scatter.add.f32 [tilespmem:s7], [sflag:$0x3], $0x20, s21, s4, $0xb8;
	[tilespmem:$0x1E460] =	vst v63  }
0x191: {  	_ = 	snop  }
0x192: {  	[tilespmem:s5], [sflag:$0x2] =	stream.indirect.gather [hbm4b:s3+s4], $0x20, s22, s4, $0xb8;
	[tilespmem:$0x1E460] =	vst v63  }
0x193: {  	_ =	swait.ge [sflag:s8], $0x7D00  }
0x194: {  	[sflag:s8] =	ssyncset.done $0x0  }
0x195: {  	[sflag:s8] =	ssyncadd.s32 $0xFFFF8300  }
0x196: {  	_ =	swait.ge [sflag:s6], $0x7D00  }
0x197: {  	[sflag:s6] =	ssyncset.done $0x0  }
0x198: {  	[sflag:s6] =	ssyncadd.s32 $0xFFFF8300  }
0x199: {  	[spmem:s2] =	stream.indirect.scatter.add.f32 [tilespmem:s5], [sflag:$0x3], $0x20, s19, s4, $0xb8;
	[tilespmem:$0x1E460] =	vst v63  }
0x19a: {  	_ = 	snop  }
0x19b: {  	[tilespmem:s7], [sflag:$0x1] =	stream.indirect.gather [hbm4b:s3+s4], $0x20, s20, s4, $0xb8;
	[tilespmem:$0x1E460] =	vst v63  }
0x19c: {  	_ =	swait.ge [sflag:s9], $0x7D00  }
0x19d: {  	[sflag:s9] =	ssyncset.done $0x0  }
0x19e: {  	[sflag:s9] =	ssyncadd.s32 $0xFFFF8300  }
0x19f: {  	_ =	swait.ge [sflag:s6], $0x7D00  }
0x1a0: {  	[sflag:s6] =	ssyncset.done $0x0  }
0x1a1: {  	[sflag:s6] =	ssyncadd.s32 $0xFFFF8300  }
0x1a2: {  	[spmem:s2] =	stream.indirect.scatter.add.f32 [tilespmem:s7], [sflag:$0x3], $0x20, s17, s4, $0xb8;
	[tilespmem:$0x1E460] =	vst v63  }
0x1a3: {  	_ = 	snop  }
0x1a4: {  	[tilespmem:s5], [sflag:$0x2] =	stream.indirect.gather [hbm4b:s3+s4], $0x20, s18, s4, $0xb8;
	[tilespmem:$0x1E460] =	vst v63  }
0x1a5: {  	_ =	swait.ge [sflag:s8], $0x7D00  }
0x1a6: {  	[sflag:s8] =	ssyncset.done $0x0  }
0x1a7: {  	[sflag:s8] =	ssyncadd.s32 $0xFFFF8300  }
0x1a8: {  	_ =	swait.ge [sflag:s6], $0x7D00  }
0x1a9: {  	[sflag:s6] =	ssyncset.done $0x0  }
0x1aa: {  	[sflag:s6] =	ssyncadd.s32 $0xFFFF8300  }
0x1ab: {  	[spmem:s2] =	stream.indirect.scatter.add.f32 [tilespmem:s5], [sflag:$0x3], $0x20, s15, s4, $0xb8;
	[tilespmem:$0x1E460] =	vst v63  }
0x1ac: {  	_ = 	snop  }
0x1ad: {  	[tilespmem:s7], [sflag:$0x1] =	stream.indirect.gather [hbm4b:s3+s4], $0x20, s16, s4, $0xb8;
	[tilespmem:$0x1E460] =	vst v63  }
0x1ae: {  	_ =	swait.ge [sflag:s9], $0x7D00  }
0x1af: {  	[sflag:s9] =	ssyncset.done $0x0  }
0x1b0: {  	[sflag:s9] =	ssyncadd.s32 $0xFFFF8300  }
0x1b1: {  	_ =	swait.ge [sflag:s6], $0x7D00  }
0x1b2: {  	[sflag:s6] =	ssyncset.done $0x0  }
0x1b3: {  	[sflag:s6] =	ssyncadd.s32 $0xFFFF8300  }
0x1b4: {  	[spmem:s2] =	stream.indirect.scatter.add.f32 [tilespmem:s7], [sflag:$0x3], $0x20, s13, s4, $0xb8;
	[tilespmem:$0x1E460] =	vst v63  }
0x1b5: {  	_ = 	snop  }
0x1b6: {  	[tilespmem:s5], [sflag:$0x2] =	stream.indirect.gather [hbm4b:s3+s4], $0x20, s14, s4, $0xb8;
	[tilespmem:$0x1E460] =	vst v63  }
0x1b7: {  	_ =	swait.ge [sflag:s8], $0x7D00  }
0x1b8: {  	[sflag:s8] =	ssyncset.done $0x0  }
0x1b9: {  	[sflag:s8] =	ssyncadd.s32 $0xFFFF8300  }
0x1ba: {  	_ =	swait.ge [sflag:s6], $0x7D00  }
0x1bb: {  	[sflag:s6] =	ssyncset.done $0x0  }
0x1bc: {  	[sflag:s6] =	ssyncadd.s32 $0xFFFF8300  }
0x1bd: {  	[spmem:s2] =	stream.indirect.scatter.add.f32 [tilespmem:s5], [sflag:$0x3], $0x20, s12, s4, $0xb8;
	[tilespmem:$0x1E460] =	vst v63  }
0x1be: {  	_ =	swait.ge [sflag:s6], $0x7D00  }
0x1bf: {  	[sflag:s6] =	ssyncset.done $0x0  }
0x1c0: {  	[sflag:s6] =	ssyncadd.s32 $0xFFFF8300  }
0x1c1: {  	[bflag:$0x0] =	sbarrier.arrive $0xFFFF  }
0x1c2: {  	s31 =	sadd.s32 $0xFFFFFFFF, s31;
	s10 =	rddreg [dreg:$0x8]  }
0x1c3: {  	[tilespmem:s30], [sflag:$0x4] =	stream.linear.gather @!p0 [spmem:s10], $0x7D00, $0x38;
	[tilespmem:$0x1E460] =	vst v63  }
0x1c4: {  	p2 =	sne.s32 s31, $0x0;
	_ =	swait.ge @!p0 [sflag:s28], $0x7D00  }
.Ltmp2:
0x1c5: {  	[sflag:s28] =	ssyncset.done @!p0 $0x0;
	(pc) =	sbr.rel @p2 .LBB2_4-.Ltmp2, $4  }
0x1c6: {  	s10 =	rddreg [dreg:$0x9];
	[sflag:s28] =	ssyncadd.s32 @!p0 $0xFFFF8300  }
0x1c7: {  	[hbm4b:s10+s0] =	stream.strided.scatter @!p0 [tilespmem:s30], [sflag:$0x4], $0x7D00, s1, s0, $0x38;
	[tilespmem:$0x1E460] =	vst v63  }
0x1c8: {  	_ =	swait.ge @!p0 [sflag:s28], $0x7D00  }
0x1c9: {  	s10 =	rddreg [dreg:$0x4];
	[sflag:s28] =	ssyncset.done @!p0 $0x0  }
0x1ca: {  	s12 =	simm.s32 $0x32C8;
	s29 =	rddreg [dreg:$0x3];
	s30 =	stileid.u32  }
0x1cb: {  	s13 =	simm.s32 $0x9470;
	s14 =	simm.s32 $0x4A38;
	s15 =	simm.s32 $0x9088  }
0x1cc: {  	s16 =	simm.s32 $0x4650;
	s17 =	simm.s32 $0x8CA0;
	s18 =	simm.s32 $0x4268  }
0x1cd: {  	s19 =	simm.s32 $0x88B8;
	s20 =	simm.s32 $0x3E80;
	s21 =	simm.s32 $0x84D0  }
0x1ce: {  	s22 =	simm.s32 $0x3A98;
	s23 =	simm.s32 $0x80E8;
	s31 =	simm.s32 $0x36B0  }
.LBB2_6:
0x1cf: {  	p1 =	por p0, !p1  }
0x1d0: {  	s0 =	simm.s32 @!p0 $0x0;
	s1 =	simm.s32 @!p0 $0x9C40;
	[sflag:s28] =	ssyncadd.s32 @!p1 $0xFFFF8300  }
0x1d1: {  	[tilespmem:s1], [sflag:$0x4] =	stream.linear.gather @!p0 [hbm4b:s10+s0], $0x7D00, $0x38;
	[tilespmem:$0x1E460] =	vst v63  }
0x1d2: {  	s0 =	simm.s32 @!p0 $0x4  }
0x1d3: {  	_ =	swait.ge @!p0 [sflag:s0], $0x7D00  }
0x1d4: {  	[sflag:s0] =	ssyncset.done @!p0 $0x0  }
0x1d5: {  	s10 =	rddreg [dreg:$0x5];
	[sflag:s0] =	ssyncadd.s32 @!p0 $0xFFFF8300  }
0x1d6: {  	[spmem:s10] =	stream.linear.scatter @!p0 [tilespmem:s1], [sflag:$0x4], $0x7D00, $0x38;
	[tilespmem:$0x1E460] =	vst v63  }
0x1d7: {  	_ =	swait.ge @!p0 [sflag:s0], $0x7D00  }
0x1d8: {  	[sflag:s0] =	ssyncset.done @!p0 $0x0  }
0x1d9: {  	[sflag:s0] =	ssyncadd.s32 @!p0 $0xFFFF8300  }
0x1da: {  	[bflag:$0x0] =	sbarrier.arrive $0xFFFF  }
0x1db: {  	s28 =	rddreg [dreg:$0x6]  }
0x1dc: {  	[tilespmem:s24], [sflag:$0x4] =	stream.linear.gather [hbm4b:s28+s24], $0x4E20, $0x38;
	[tilespmem:$0x1E460] =	vst v63  }
0x1dd: {  	_ =	swait.ge [sflag:s26], $0x4E20  }
0x1de: {  	[sflag:s26] =	ssyncset.done $0x0  }
0x1df: {  	s11 =	rddreg [dreg:$0x7];
	[sflag:s26] =	ssyncadd.s32 $0xFFFFB1E0  }
0x1e0: {  	[tilespmem:s25], [sflag:$0x4] =	stream.linear.gather [hbm4b:s11+s24], $0x4E20, $0x38;
	[tilespmem:$0x1E460] =	vst v63  }
0x1e1: {  	_ =	swait.ge [sflag:s26], $0x4E20  }
0x1e2: {  	[sflag:s26] =	ssyncset.done $0x0  }
0x1e3: {  	[sflag:s26] =	ssyncadd.s32 $0xFFFFB1E0  }
0x1e4: {  	[tilespmem:s7], [sflag:$0x1] =	stream.indirect.gather [hbm4b:s3+s4], $0x20, s24, s4, $0xb8;
	[tilespmem:$0x1E460] =	vst v63  }
0x1e5: {  	_ =	swait.ge [sflag:s9], $0x7D00  }
0x1e6: {  	[sflag:s9] =	ssyncset.done $0x0  }
0x1e7: {  	[sflag:s9] =	ssyncadd.s32 $0xFFFF8300  }
0x1e8: {  	[spmem:s2] =	stream.indirect.scatter.add.f32 [tilespmem:s7], [sflag:$0x3], $0x20, s25, s4, $0xb8;
	[tilespmem:$0x1E460] =	vst v63  }
0x1e9: {  	_ = 	snop  }
0x1ea: {  	[tilespmem:s5], [sflag:$0x2] =	stream.indirect.gather [hbm4b:s3+s4], $0x20, s4, s4, $0xb8;
	[tilespmem:$0x1E460] =	vst v63  }
0x1eb: {  	_ =	swait.ge [sflag:s8], $0x7D00  }
0x1ec: {  	[sflag:s8] =	ssyncset.done $0x0  }
0x1ed: {  	[sflag:s8] =	ssyncadd.s32 $0xFFFF8300  }
0x1ee: {  	_ =	swait.ge [sflag:s6], $0x7D00  }
0x1ef: {  	[sflag:s6] =	ssyncset.done $0x0  }
0x1f0: {  	s28 =	rddreg [dreg:$0xa];
	[sflag:s6] =	ssyncadd.s32 $0xFFFF8300  }
0x1f1: {  	[spmem:s2] =	stream.indirect.scatter.add.f32 [tilespmem:s5], [sflag:$0x3], $0x20, s28, s4, $0xb8;
	[tilespmem:$0x1E460] =	vst v63  }
0x1f2: {  	s11 =	rddreg [dreg:$0xb]  }
0x1f3: {  	[tilespmem:s7], [sflag:$0x1] =	stream.indirect.gather [hbm4b:s3+s4], $0x20, s11, s4, $0xb8;
	[tilespmem:$0x1E460] =	vst v63  }
0x1f4: {  	_ =	swait.ge [sflag:s9], $0x7D00  }
0x1f5: {  	[sflag:s9] =	ssyncset.done $0x0  }
0x1f6: {  	[sflag:s9] =	ssyncadd.s32 $0xFFFF8300  }
0x1f7: {  	_ =	swait.ge [sflag:s6], $0x7D00  }
0x1f8: {  	[sflag:s6] =	ssyncset.done $0x0  }
0x1f9: {  	s24 =	rddreg [dreg:$0xc];
	[sflag:s6] =	ssyncadd.s32 $0xFFFF8300  }
0x1fa: {  	[spmem:s2] =	stream.indirect.scatter.add.f32 [tilespmem:s7], [sflag:$0x3], $0x20, s24, s4, $0xb8;
	[tilespmem:$0x1E460] =	vst v63  }
0x1fb: {  	s25 =	rddreg [dreg:$0xd]  }
0x1fc: {  	[tilespmem:s5], [sflag:$0x2] =	stream.indirect.gather [hbm4b:s3+s4], $0x20, s25, s4, $0xb8;
	[tilespmem:$0x1E460] =	vst v63  }
0x1fd: {  	_ =	swait.ge [sflag:s8], $0x7D00  }
0x1fe: {  	[sflag:s8] =	ssyncset.done $0x0  }
0x1ff: {  	[sflag:s8] =	ssyncadd.s32 $0xFFFF8300  }
0x200: {  	_ =	swait.ge [sflag:s6], $0x7D00  }
0x201: {  	[sflag:s6] =	ssyncset.done $0x0  }
0x202: {  	s26 =	rddreg [dreg:$0xe];
	[sflag:s6] =	ssyncadd.s32 $0xFFFF8300  }
0x203: {  	[spmem:s2] =	stream.indirect.scatter.add.f32 [tilespmem:s5], [sflag:$0x3], $0x20, s26, s4, $0xb8;
	[tilespmem:$0x1E460] =	vst v63  }
0x204: {  	s28 =	rddreg [dreg:$0xf]  }
0x205: {  	[tilespmem:s7], [sflag:$0x1] =	stream.indirect.gather [hbm4b:s3+s4], $0x20, s28, s4, $0xb8;
	[tilespmem:$0x1E460] =	vst v63  }
0x206: {  	_ =	swait.ge [sflag:s9], $0x7D00  }
0x207: {  	[sflag:s9] =	ssyncset.done $0x0  }
0x208: {  	[sflag:s9] =	ssyncadd.s32 $0xFFFF8300  }
0x209: {  	_ =	swait.ge [sflag:s6], $0x7D00  }
0x20a: {  	[sflag:s6] =	ssyncset.done $0x0  }
0x20b: {  	s24 =	rddreg [dreg:$0x10];
	[sflag:s6] =	ssyncadd.s32 $0xFFFF8300  }
0x20c: {  	[spmem:s2] =	stream.indirect.scatter.add.f32 [tilespmem:s7], [sflag:$0x3], $0x20, s24, s4, $0xb8;
	[tilespmem:$0x1E460] =	vst v63  }
0x20d: {  	s25 =	rddreg [dreg:$0x11]  }
0x20e: {  	[tilespmem:s5], [sflag:$0x2] =	stream.indirect.gather [hbm4b:s3+s4], $0x20, s25, s4, $0xb8;
	[tilespmem:$0x1E460] =	vst v63  }
0x20f: {  	_ =	swait.ge [sflag:s8], $0x7D00  }
0x210: {  	[sflag:s8] =	ssyncset.done $0x0  }
0x211: {  	[sflag:s8] =	ssyncadd.s32 $0xFFFF8300  }
0x212: {  	_ =	swait.ge [sflag:s6], $0x7D00  }
0x213: {  	[sflag:s6] =	ssyncset.done $0x0  }
0x214: {  	s26 =	rddreg [dreg:$0x12];
	[sflag:s6] =	ssyncadd.s32 $0xFFFF8300  }
0x215: {  	[spmem:s2] =	stream.indirect.scatter.add.f32 [tilespmem:s5], [sflag:$0x3], $0x20, s26, s4, $0xb8;
	[tilespmem:$0x1E460] =	vst v63  }
0x216: {  	s28 =	rddreg [dreg:$0x13]  }
0x217: {  	[tilespmem:s7], [sflag:$0x1] =	stream.indirect.gather [hbm4b:s3+s4], $0x20, s28, s4, $0xb8;
	[tilespmem:$0x1E460] =	vst v63  }
0x218: {  	_ =	swait.ge [sflag:s9], $0x7D00  }
0x219: {  	[sflag:s9] =	ssyncset.done $0x0  }
0x21a: {  	[sflag:s9] =	ssyncadd.s32 $0xFFFF8300  }
0x21b: {  	_ =	swait.ge [sflag:s6], $0x7D00  }
0x21c: {  	[sflag:s6] =	ssyncset.done $0x0  }
0x21d: {  	s24 =	rddreg [dreg:$0x14];
	[sflag:s6] =	ssyncadd.s32 $0xFFFF8300  }
0x21e: {  	[spmem:s2] =	stream.indirect.scatter.add.f32 [tilespmem:s7], [sflag:$0x3], $0x20, s24, s4, $0xb8;
	[tilespmem:$0x1E460] =	vst v63  }
0x21f: {  	s25 =	rddreg [dreg:$0x15]  }
0x220: {  	[tilespmem:s5], [sflag:$0x2] =	stream.indirect.gather [hbm4b:s3+s4], $0x20, s25, s4, $0xb8;
	[tilespmem:$0x1E460] =	vst v63  }
0x221: {  	_ =	swait.ge [sflag:s8], $0x7D00  }
0x222: {  	[sflag:s8] =	ssyncset.done $0x0  }
0x223: {  	[sflag:s8] =	ssyncadd.s32 $0xFFFF8300  }
0x224: {  	_ =	swait.ge [sflag:s6], $0x7D00  }
0x225: {  	[sflag:s6] =	ssyncset.done $0x0  }
0x226: {  	s26 =	rddreg [dreg:$0x16];
	[sflag:s6] =	ssyncadd.s32 $0xFFFF8300  }
0x227: {  	[spmem:s2] =	stream.indirect.scatter.add.f32 [tilespmem:s5], [sflag:$0x3], $0x20, s26, s4, $0xb8;
	[tilespmem:$0x1E460] =	vst v63  }
0x228: {  	s28 =	rddreg [dreg:$0x17]  }
0x229: {  	[tilespmem:s7], [sflag:$0x1] =	stream.indirect.gather [hbm4b:s3+s4], $0x20, s28, s4, $0xb8;
	[tilespmem:$0x1E460] =	vst v63  }
0x22a: {  	_ =	swait.ge [sflag:s9], $0x7D00  }
0x22b: {  	[sflag:s9] =	ssyncset.done $0x0  }
0x22c: {  	[sflag:s9] =	ssyncadd.s32 $0xFFFF8300  }
0x22d: {  	_ =	swait.ge [sflag:s6], $0x7D00  }
0x22e: {  	[sflag:s6] =	ssyncset.done $0x0  }
0x22f: {  	s24 =	rddreg [dreg:$0x18];
	[sflag:s6] =	ssyncadd.s32 $0xFFFF8300  }
0x230: {  	[spmem:s2] =	stream.indirect.scatter.add.f32 [tilespmem:s7], [sflag:$0x3], $0x20, s24, s4, $0xb8;
	[tilespmem:$0x1E460] =	vst v63  }
0x231: {  	s25 =	rddreg [dreg:$0x19]  }
0x232: {  	[tilespmem:s5], [sflag:$0x2] =	stream.indirect.gather [hbm4b:s3+s4], $0x20, s25, s4, $0xb8;
	[tilespmem:$0x1E460] =	vst v63  }
0x233: {  	_ =	swait.ge [sflag:s8], $0x7D00  }
0x234: {  	[sflag:s8] =	ssyncset.done $0x0  }
0x235: {  	[sflag:s8] =	ssyncadd.s32 $0xFFFF8300  }
0x236: {  	_ =	swait.ge [sflag:s6], $0x7D00  }
0x237: {  	[sflag:s6] =	ssyncset.done $0x0  }
0x238: {  	s26 =	rddreg [dreg:$0x1a];
	[sflag:s6] =	ssyncadd.s32 $0xFFFF8300  }
0x239: {  	[spmem:s2] =	stream.indirect.scatter.add.f32 [tilespmem:s5], [sflag:$0x3], $0x20, s26, s4, $0xb8;
	[tilespmem:$0x1E460] =	vst v63  }
0x23a: {  	s28 =	rddreg [dreg:$0x1b]  }
0x23b: {  	[tilespmem:s7], [sflag:$0x1] =	stream.indirect.gather [hbm4b:s3+s4], $0x20, s28, s4, $0xb8;
	[tilespmem:$0x1E460] =	vst v63  }
0x23c: {  	_ =	swait.ge [sflag:s9], $0x7D00  }
0x23d: {  	[sflag:s9] =	ssyncset.done $0x0  }
0x23e: {  	[sflag:s9] =	ssyncadd.s32 $0xFFFF8300  }
0x23f: {  	_ =	swait.ge [sflag:s6], $0x7D00  }
0x240: {  	[sflag:s6] =	ssyncset.done $0x0  }
0x241: {  	s11 =	rddreg [dreg:$0x1c];
	[sflag:s6] =	ssyncadd.s32 $0xFFFF8300  }
0x242: {  	[spmem:s2] =	stream.indirect.scatter.add.f32 [tilespmem:s7], [sflag:$0x3], $0x20, s11, s4, $0xb8;
	[tilespmem:$0x1E460] =	vst v63  }
0x243: {  	s24 =	rddreg [dreg:$0x1d]  }
0x244: {  	[tilespmem:s5], [sflag:$0x2] =	stream.indirect.gather [hbm4b:s3+s4], $0x20, s24, s4, $0xb8;
	[tilespmem:$0x1E460] =	vst v63  }
0x245: {  	_ =	swait.ge [sflag:s8], $0x7D00  }
0x246: {  	[sflag:s8] =	ssyncset.done $0x0  }
0x247: {  	[sflag:s8] =	ssyncadd.s32 $0xFFFF8300  }
0x248: {  	_ =	swait.ge [sflag:s6], $0x7D00  }
0x249: {  	[sflag:s6] =	ssyncset.done $0x0  }
0x24a: {  	s25 =	rddreg [dreg:$0x1e];
	[sflag:s6] =	ssyncadd.s32 $0xFFFF8300  }
0x24b: {  	[spmem:s2] =	stream.indirect.scatter.add.f32 [tilespmem:s5], [sflag:$0x3], $0x20, s25, s4, $0xb8;
	[tilespmem:$0x1E460] =	vst v63  }
0x24c: {  	s26 =	rddreg [dreg:$0x1f]  }
0x24d: {  	[tilespmem:s7], [sflag:$0x1] =	stream.indirect.gather [hbm4b:s3+s4], $0x20, s26, s4, $0xb8;
	[tilespmem:$0x1E460] =	vst v63  }
0x24e: {  	_ =	swait.ge [sflag:s9], $0x7D00  }
0x24f: {  	[sflag:s9] =	ssyncset.done $0x0  }
0x250: {  	[sflag:s9] =	ssyncadd.s32 $0xFFFF8300  }
0x251: {  	_ =	swait.ge [sflag:s6], $0x7D00  }
0x252: {  	s28 =	sld [smem:$0x7FD]  }
0x253: {  	[sflag:s6] =	ssyncset.done $0x0  }
0x254: {  	[sflag:s6] =	ssyncadd.s32 $0xFFFF8300  }
0x255: {  	[spmem:s2] =	stream.indirect.scatter.add.f32 [tilespmem:s7], [sflag:$0x3], $0x20, s28, s4, $0xb8;
	[tilespmem:$0x1E460] =	vst v63  }
0x256: {  	_ = 	snop  }
0x257: {  	[tilespmem:s5], [sflag:$0x2] =	stream.indirect.gather [hbm4b:s3+s4], $0x20, s12, s4, $0xb8;
	[tilespmem:$0x1E460] =	vst v63  }
0x258: {  	_ =	swait.ge [sflag:s8], $0x7D00  }
0x259: {  	[sflag:s8] =	ssyncset.done $0x0  }
0x25a: {  	[sflag:s8] =	ssyncadd.s32 $0xFFFF8300  }
0x25b: {  	_ =	swait.ge [sflag:s6], $0x7D00  }
0x25c: {  	[sflag:s6] =	ssyncset.done $0x0  }
0x25d: {  	[sflag:s6] =	ssyncadd.s32 $0xFFFF8300  }
0x25e: {  	[spmem:s2] =	stream.indirect.scatter.add.f32 [tilespmem:s5], [sflag:$0x3], $0x20, s23, s4, $0xb8;
	[tilespmem:$0x1E460] =	vst v63  }
0x25f: {  	_ = 	snop  }
0x260: {  	[tilespmem:s7], [sflag:$0x1] =	stream.indirect.gather [hbm4b:s3+s4], $0x20, s31, s4, $0xb8;
	[tilespmem:$0x1E460] =	vst v63  }
0x261: {  	_ =	swait.ge [sflag:s9], $0x7D00  }
0x262: {  	[sflag:s9] =	ssyncset.done $0x0  }
0x263: {  	[sflag:s9] =	ssyncadd.s32 $0xFFFF8300  }
0x264: {  	_ =	swait.ge [sflag:s6], $0x7D00  }
0x265: {  	[sflag:s6] =	ssyncset.done $0x0  }
0x266: {  	[sflag:s6] =	ssyncadd.s32 $0xFFFF8300  }
0x267: {  	[spmem:s2] =	stream.indirect.scatter.add.f32 [tilespmem:s7], [sflag:$0x3], $0x20, s21, s4, $0xb8;
	[tilespmem:$0x1E460] =	vst v63  }
0x268: {  	_ = 	snop  }
0x269: {  	[tilespmem:s5], [sflag:$0x2] =	stream.indirect.gather [hbm4b:s3+s4], $0x20, s22, s4, $0xb8;
	[tilespmem:$0x1E460] =	vst v63  }
0x26a: {  	_ =	swait.ge [sflag:s8], $0x7D00  }
0x26b: {  	[sflag:s8] =	ssyncset.done $0x0  }
0x26c: {  	[sflag:s8] =	ssyncadd.s32 $0xFFFF8300  }
0x26d: {  	_ =	swait.ge [sflag:s6], $0x7D00  }
0x26e: {  	[sflag:s6] =	ssyncset.done $0x0  }
0x26f: {  	[sflag:s6] =	ssyncadd.s32 $0xFFFF8300  }
0x270: {  	[spmem:s2] =	stream.indirect.scatter.add.f32 [tilespmem:s5], [sflag:$0x3], $0x20, s19, s4, $0xb8;
	[tilespmem:$0x1E460] =	vst v63  }
0x271: {  	_ = 	snop  }
0x272: {  	[tilespmem:s7], [sflag:$0x1] =	stream.indirect.gather [hbm4b:s3+s4], $0x20, s20, s4, $0xb8;
	[tilespmem:$0x1E460] =	vst v63  }
0x273: {  	_ =	swait.ge [sflag:s9], $0x7D00  }
0x274: {  	[sflag:s9] =	ssyncset.done $0x0  }
0x275: {  	[sflag:s9] =	ssyncadd.s32 $0xFFFF8300  }
0x276: {  	_ =	swait.ge [sflag:s6], $0x7D00  }
0x277: {  	[sflag:s6] =	ssyncset.done $0x0  }
0x278: {  	[sflag:s6] =	ssyncadd.s32 $0xFFFF8300  }
0x279: {  	[spmem:s2] =	stream.indirect.scatter.add.f32 [tilespmem:s7], [sflag:$0x3], $0x20, s17, s4, $0xb8;
	[tilespmem:$0x1E460] =	vst v63  }
0x27a: {  	_ = 	snop  }
0x27b: {  	[tilespmem:s5], [sflag:$0x2] =	stream.indirect.gather [hbm4b:s3+s4], $0x20, s18, s4, $0xb8;
	[tilespmem:$0x1E460] =	vst v63  }
0x27c: {  	_ =	swait.ge [sflag:s8], $0x7D00  }
0x27d: {  	[sflag:s8] =	ssyncset.done $0x0  }
0x27e: {  	[sflag:s8] =	ssyncadd.s32 $0xFFFF8300  }
0x27f: {  	_ =	swait.ge [sflag:s6], $0x7D00  }
0x280: {  	[sflag:s6] =	ssyncset.done $0x0  }
0x281: {  	[sflag:s6] =	ssyncadd.s32 $0xFFFF8300  }
0x282: {  	[spmem:s2] =	stream.indirect.scatter.add.f32 [tilespmem:s5], [sflag:$0x3], $0x20, s15, s4, $0xb8;
	[tilespmem:$0x1E460] =	vst v63  }
0x283: {  	_ = 	snop  }
0x284: {  	[tilespmem:s7], [sflag:$0x1] =	stream.indirect.gather [hbm4b:s3+s4], $0x20, s16, s4, $0xb8;
	[tilespmem:$0x1E460] =	vst v63  }
0x285: {  	_ =	swait.ge [sflag:s9], $0x7D00  }
0x286: {  	[sflag:s9] =	ssyncset.done $0x0  }
0x287: {  	[sflag:s9] =	ssyncadd.s32 $0xFFFF8300  }
0x288: {  	_ =	swait.ge [sflag:s6], $0x7D00  }
0x289: {  	[sflag:s6] =	ssyncset.done $0x0  }
0x28a: {  	[sflag:s6] =	ssyncadd.s32 $0xFFFF8300  }
0x28b: {  	[spmem:s2] =	stream.indirect.scatter.add.f32 [tilespmem:s7], [sflag:$0x3], $0x20, s13, s4, $0xb8;
	[tilespmem:$0x1E460] =	vst v63  }
0x28c: {  	_ = 	snop  }
0x28d: {  	[tilespmem:s5], [sflag:$0x2] =	stream.indirect.gather [hbm4b:s3+s4], $0x20, s14, s4, $0xb8;
	[tilespmem:$0x1E460] =	vst v63  }
0x28e: {  	_ =	swait.ge [sflag:s8], $0x7D00  }
0x28f: {  	[sflag:s8] =	ssyncset.done $0x0  }
0x290: {  	[sflag:s8] =	ssyncadd.s32 $0xFFFF8300  }
0x291: {  	_ =	swait.ge [sflag:s6], $0x7D00  }
0x292: {  	[sflag:s6] =	ssyncset.done $0x0  }
0x293: {  	s31 =	simm.s32 $0x9858;
	[sflag:s6] =	ssyncadd.s32 $0xFFFF8300  }
0x294: {  	[spmem:s2] =	stream.indirect.scatter.add.f32 [tilespmem:s5], [sflag:$0x3], $0x20, s31, s4, $0xb8;
	[tilespmem:$0x1E460] =	vst v63  }
0x295: {  	_ =	swait.ge [sflag:s6], $0x7D00  }
0x296: {  	[sflag:s6] =	ssyncset.done $0x0  }
0x297: {  	[sflag:s6] =	ssyncadd.s32 $0xFFFF8300  }
0x298: {  	[bflag:$0x0] =	sbarrier.arrive $0xFFFF  }
0x299: {  	s2 =	rddreg [dreg:$0x8]  }
0x29a: {  	[tilespmem:s1], [sflag:$0x4] =	stream.linear.gather @!p0 [spmem:s2], $0x7D00, $0x38;
	[tilespmem:$0x1E460] =	vst v63  }
0x29b: {  	_ =	swait.ge @!p0 [sflag:s0], $0x7D00  }
0x29c: {  	s3 =	simm.s32 @!p0 $0x20;
	[sflag:s0] =	ssyncset.done @!p0 $0x0  }
0x29d: {  	s4 =	simm.s32 @!p0 $0x80;
	s2 =	rddreg [dreg:$0x9];
	[sflag:s0] =	ssyncadd.s32 @!p0 $0xFFFF8300  }
0x29e: {  	[hbm4b:s2+s3] =	stream.strided.scatter @!p0 [tilespmem:s1], [sflag:$0x4], $0x7D00, s4, s3, $0x38;
	[tilespmem:$0x1E460] =	vst v63  }
0x29f: {  	_ =	swait.ge @!p0 [sflag:s0], $0x7D00  }
0x2a0: {  	[sflag:s0] =	ssyncset.done @!p0 $0x0  }
0x2a1: {  	[sflag:s0] =	ssyncadd.s32 @!p0 $0xFFFF8300  }
0x2a2: {  	_ =	sfence.sel $0x180000  }
0x2a3: {  	[bflag:$0x0] =	sbarrier.arrive $0xFFFF  }
0x2a4: {  	p0 =	sne.s32 s30, $0x0;
	_ =	strace $0x9000004A  }
0x2a5: {  	s0 =	sadd.s32 @!p0 $0x100000, s29;
	[bflag:$0x2] =	sbarrier.arrive $0xFFFF  }
0x2a6: {  	[sflag:s0] =	ssyncadd.tile.s32 @!p0 $0x1;
	_ =	shalt  }
.LBB2_1:
.Ltmp3:
0x2a7: {  	(pc) =	sbr.rel .LBB2_6-.Ltmp3, $2  }
0x2a8: {  	_ =	sdelay $0x2  }
0x2a9: {  	s12 =	simm.s32 $0x32C8  }
.LBB2_3:
0x2aa: {  	s29 =	rddreg [dreg:$0x3]  }
.Ltmp4:
0x2ab: {  	s12 =	simm.s32 $0x32C8;
	s30 =	stileid.u32;
	(pc) =	sbr.rel .LBB2_6-.Ltmp4, $4  }
0x2ac: {  	s13 =	simm.s32 $0x9470;
	s14 =	simm.s32 $0x4A38;
	s15 =	simm.s32 $0x9088  }
0x2ad: {  	s16 =	simm.s32 $0x4650;
	s17 =	simm.s32 $0x8CA0;
	s18 =	simm.s32 $0x4268  }
0x2ae: {  	s19 =	simm.s32 $0x88B8;
	s20 =	simm.s32 $0x3E80;
	s21 =	simm.s32 $0x84D0  }
0x2af: {  	s22 =	simm.s32 $0x3A98;
	s23 =	simm.s32 $0x80E8;
	s31 =	simm.s32 $0x36B0  }
.Lfunc_end2:
_tile_overlayer_lowered:
.L_overlay_start_2:
0x2b0: {  	(tag) =	ssettag $0x2  }
0x2b1: {  	s0 =	rddreg [dreg:$0x0];
	s2 =	stileid.u32  }
0x2b2: {  	s1 =	rddreg [dreg:$0x1];
	p0 =	sne.s32 s2, $0x0  }
0x2b3: {  	s3 =	rddreg [dreg:$0x2];
	[bflag:$0x3] =	sbarrier.arrive $0xFFFF;
	s2 =	simm.s32 @!p0 $0x1C04  }
0x2b4: {  	[timem:s3], [sflag:s2] =	dma.local @!p0 [hbm:s0], s1  }
0x2b5: {  	s0 =	simm.s32 @!p0 $0x4  }
0x2b6: {  	_ =	swait.ge @!p0 [sflag:s0], s1  }
0x2b7: {  	s1 =	ssub.s32 @!p0 $0x0, s1;
	[sflag:s0] =	ssyncset.done @!p0 $0x0  }
0x2b8: {  	[sflag:s0] =	ssyncadd.s32 @!p0 s1  }
0x2b9: {  	[bflag:$0x3] =	sbarrier.arrive $0xFFFF  }
0x2ba: {  	_ =	shalt  }

// kernel: kernel.8.cloned.1.call-start
scs
__scs_entry_jumppad:
0x0: {  	(pc) =	sbr.rel $0x88, $3  }
0x1: {  	(tag) =	ssettag $0x0;
	lr =	simm.s32 $0x1  }
0x2: {  	[smem:$0x3F99] =	sst lr;
	_ =	strace $0xD0000000  }
0x3: {  	_ = 	snop  }
0x4: {  	_ = 	snop  }
0x5: {  	_ = 	snop  }
0x6: {  	_ = 	snop  }
0x7: {  	_ = 	snop  }
__scs_overlays_trampoline_lowered:
0x8: {  	[smem:$0x3FA8] =	sst s0  }
0x9: {  	[smem:$0x3FA9] =	sst s1  }
0xa: {  	[smem:$0x3FAA] =	sst s2  }
0xb: {  	[smem:$0x3FAB] =	sst s3  }
0xc: {  	[smem:$0x3FAC] =	sst s4  }
0xd: {  	[smem:$0x3FAD] =	sst s5  }
0xe: {  	[smem:$0x3FAE] =	sst s6  }
0xf: {  	[smem:$0x3FAF] =	sst s7  }
0x10: {  	[smem:$0x3FB0] =	sst s8  }
0x11: {  	[smem:$0x3FB1] =	sst s9;
	s0 =	simm.s32 @!p0 $0x0  }
0x12: {  	s1 =	sld [smem:$0x3F97];
	s0 =	simm.s32 @p0 $0x1  }
0x13: {  	[smem:$0x3FB2] =	sst s0;
	s0 =	simm.s32 @!p1 $0x0  }
0x14: {  	s2 =	sld [smem:$0x3F96];
	s0 =	simm.s32 @p1 $0x1  }
0x15: {  	[smem:$0x3FB3] =	sst s0;
	s0 =	simm.s32 @!p2 $0x0  }
0x16: {  	s3 =	sld [smem:$0x3FDB];
	s0 =	simm.s32 @p2 $0x1  }
0x17: {  	s4 =	simm.s32 $0x1BF5;
	[smem:$0x3FB5] =	sst s0  }
0x18: {  	s0 =	sld [smem:$0x3F98];
	_ =	swait.ge [sflag:s4], $0x0  }
0x19: {  	s7 =	sld [smem:$0x3F99]  }
0x1a: {  	s8 =	sadd.s32 $0xFFFFE003, lr  }
0x1b: {  	s9 =	sadd.s32 $0xFFFFFEF7, lr;
	s5 =	simm.s32 $0xFFFFFFFF;
	p2 =	slt.u32 s8, $0xFFFFF086  }
0x1c: {  	p1 =	slt.u32 s9, $0xF7A;
	s5 =	simm.s32 @!p2 $0x0  }
0x1d: {  	s5 =	simm.s32 @p1 $0x1;
	p0 =	seq.s32 s7, s2  }
0x1e: {  	s7 =	smul.u32 @!p0 $0xF7A, s2;
	p2 =	seq.s32 @!p0 s5, $0x0  }
0x1f: {  	s9 =	smul.u32 $0xF7A, s1;
	s8 =	simm.s32 @!p0 $0x1BF5;
	p2 =	por !p2, p0  }
0x20: {  	[sflag:s8] =	ssyncset.s32 @!p0 $0xFFFFF086;
	s6 =	sadd.s32 @!p0 s3, s7;
	s7 =	simm.s32 @!p0 $0x108  }
0x21: {  	s3 =	sadd.s32 s3, s9;
	s6 =	sadd.s32 @!p0 $0x88, s6;
	s7 =	simm.s32 @p2 $0x1082  }
0x22: {  	[simem:s7], [sflag:s8] =	dma.local @!p0 [hbm:s6], $0xF7A  }
0x23: {  	s9 =	sor.u32 $0xD0000000, s2;
	s6 =	simm.s32 $0x108;
	_ =	swait.ge @!p0 [sflag:s8], $0x0  }
0x24: {  	s3 =	sadd.s32 $0x88, s3;
	s6 =	simm.s32 @!p1 $0x1082;
	[sflag:s4] =	ssyncset.s32 $0xFFFFF086  }
0x25: {  	[simem:s6], [sflag:s4] =	dma.local [hbm:s3], $0xF7A  }
0x26: {  	[smem:$0x3F99] =	sst s1;
	(tag) =	ssettag s2;
	_ =	strace s9  }
0x27: {  	s1 =	sld [smem:$0x3FA9]  }
0x28: {  	s2 =	sld [smem:$0x3FAA]  }
0x29: {  	s4 =	sld [smem:$0x3FAC]  }
0x2a: {  	p0 =	seq.s32 s5, $0x0;
	s5 =	sld [smem:$0x3FAD]  }
0x2b: {  	s6 =	sld [smem:$0x3FAE]  }
0x2c: {  	s7 =	sld [smem:$0x3FAF]  }
0x2d: {  	s3 =	simm.s32 $0x108;
	s8 =	sld [smem:$0x3FB0]  }
0x2e: {  	s3 =	simm.s32 @!p0 $0x1082;
	s9 =	sld [smem:$0x3FB1]  }
0x2f: {  	lr =	sadd.s32 s0, s3;
	s0 =	sld [smem:$0x3FA8]  }
0x30: {  	s3 =	sld [smem:$0x3FAB]  }
0x31: {  	[smem:$0x3FB4] =	sst s10  }
0x32: {  	s10 =	sld [smem:$0x3FB2];
	_ =	sdelay $0x3  }
0x33: {  	p0 =	seq.s32 s10, $0x1;
	s10 =	sld [smem:$0x3FB4];
	_ =	sdelay $0x3  }
0x34: {  	[smem:$0x3FB4] =	sst s10  }
0x35: {  	s10 =	sld [smem:$0x3FB3];
	_ =	sdelay $0x3  }
0x36: {  	p1 =	seq.s32 s10, $0x1;
	s10 =	sld [smem:$0x3FB4];
	_ =	sdelay $0x3  }
0x37: {  	[smem:$0x3FB4] =	sst s10  }
0x38: {  	s10 =	sld [smem:$0x3FB5]  }
0x39: {  	_ = 	snop;
	(pc) =	sbr.ind lr, $3  }
0x3a: {  	_ = 	snop  }
0x3b: {  	_ = 	snop  }
0x3c: {  	p2 =	seq.s32 s10, $0x1;
	s10 =	sld [smem:$0x3FB4]  }
0x3d: {  	_ =	shalt  }
0x3e: {  	_ =	shalt  }
0x3f: {  	_ =	shalt  }
0x40: {  	_ =	shalt  }
0x41: {  	_ =	shalt  }
0x42: {  	_ =	shalt  }
0x43: {  	_ =	shalt  }
0x44: {  	_ =	shalt  }
0x45: {  	_ =	shalt  }
0x46: {  	_ =	shalt  }
0x47: {  	_ =	shalt  }
0x48: {  	_ =	shalt  }
0x49: {  	_ =	shalt  }
0x4a: {  	_ =	shalt  }
0x4b: {  	_ =	shalt  }
0x4c: {  	_ =	shalt  }
0x4d: {  	_ =	shalt  }
0x4e: {  	_ =	shalt  }
0x4f: {  	_ =	shalt  }
0x50: {  	_ =	shalt  }
0x51: {  	_ =	shalt  }
0x52: {  	_ =	shalt  }
0x53: {  	_ =	shalt  }
0x54: {  	_ =	shalt  }
0x55: {  	_ =	shalt  }
0x56: {  	_ =	shalt  }
0x57: {  	_ =	shalt  }
0x58: {  	_ =	shalt  }
0x59: {  	_ =	shalt  }
0x5a: {  	_ =	shalt  }
0x5b: {  	_ =	shalt  }
0x5c: {  	_ =	shalt  }
0x5d: {  	_ =	shalt  }
0x5e: {  	_ =	shalt  }
0x5f: {  	_ =	shalt  }
0x60: {  	_ =	shalt  }
0x61: {  	_ =	shalt  }
0x62: {  	_ =	shalt  }
0x63: {  	_ =	shalt  }
0x64: {  	_ =	shalt  }
0x65: {  	_ =	shalt  }
0x66: {  	_ =	shalt  }
0x67: {  	_ =	shalt  }
0x68: {  	_ =	shalt  }
0x69: {  	_ =	shalt  }
0x6a: {  	_ =	shalt  }
0x6b: {  	_ =	shalt  }
0x6c: {  	_ =	shalt  }
0x6d: {  	_ =	shalt  }
0x6e: {  	_ =	shalt  }
0x6f: {  	_ =	shalt  }
0x70: {  	_ =	shalt  }
0x71: {  	_ =	shalt  }
0x72: {  	_ =	shalt  }
0x73: {  	_ =	shalt  }
0x74: {  	_ =	shalt  }
0x75: {  	_ =	shalt  }
0x76: {  	_ =	shalt  }
0x77: {  	_ =	shalt  }
0x78: {  	_ =	shalt  }
0x79: {  	_ =	shalt  }
0x7a: {  	_ =	shalt  }
0x7b: {  	_ =	shalt  }
0x7c: {  	_ =	shalt  }
0x7d: {  	_ =	shalt  }
0x7e: {  	_ =	shalt  }
0x7f: {  	_ =	shalt  }
0x80: {  	_ =	shalt  }
0x81: {  	_ =	shalt  }
0x82: {  	_ =	shalt  }
0x83: {  	_ =	shalt  }
0x84: {  	_ =	shalt  }
0x85: {  	_ =	shalt  }
0x86: {  	_ =	shalt  }
0x87: {  	_ =	shalt  }
.Lfunc_end0:
.L_simem_size_0:
called_computation_lowered:
.L_overlay_start_0:
0x88: {  	s2 =	sld [smem:$0x3FD9]  }
0x89: {  	s3 =	sld [smem:$0x3FFE];
	_ =	sdelay $0x1  }
0x8a: {  	s1 =	srdreg.scid  }
0x8b: {  	s0 =	sand.u32 $0x1, s1  }
0x8c: {  	s14 =	sshll.u32 s0, $0xA;
	s2 =	sadd.s32 s3, s2  }
0x8d: {  	s2 =	sadd.s32 s2, s14  }
0x8e: {  	[smem:$0x3FC0] =	sst s2  }
0x8f: {  	_ = 	snop  }
0x90: {  	s2 =	sld [smem:$0x3FD0];
	_ =	sdelay $0x2  }
0x91: {  	s15 =	simm.s32 $0xA;
	s4 =	simm.s32 $0x10  }
0x92: {  	[smem:s4], [sflag:s15] =	dma.local [hbm:s2], $0x1  }
0x93: {  	_ =	swait.eq [sflag:s15], $0x1  }
0x94: {  	[sflag:s15] =	ssyncset.done $0x0  }
0x95: {  	[sflag:s15] =	ssyncadd.s32 $0xFFFFFFFF  }
0x96: {  	s16 =	sld [smem:$0x10];
	(tm) =	ssettm $0x1  }
0x97: {  	s17 =	sld [smem:$0x3FFB];
	_ =	sdelay $0x3  }
0x98: {  	_ =	strace s17  }
0x99: {  	s3 =	sld [smem:$0x3FFC];
	_ =	sdelay $0x3  }
0x9a: {  	_ =	strace s3  }
0x9b: {  	s3 =	sld [smem:$0x3FFD];
	_ =	sdelay $0x3  }
0x9c: {  	_ =	strace s3  }
0x9d: {  	_ =	strace $0x8FFFFFFF  }
0x9e: {  	s18 =	sld [smem:$0x3FDB];
	_ =	sdelay $0x1  }
0x9f: {  	s19 =	simm.s32 $_scs_section_size  }
0xa0: {  	s5 =	simm.s32 $_size__tile_overlayer_lowered;
	s6 =	simm.s32 $_tile_overlayer_lowered  }
0xa1: {  	s22 =	simm.s32 $0x1BFF;
	s21 =	sshll.u32 s6, $0x1;
	s3 =	sadd.s32 s19, s18  }
0xa2: {  	s7 =	simm.s32 $0x0;
	s20 =	sshll.u32 s5, $0x1;
	s5 =	sadd.s32 s21, s3  }
0xa3: {  	[timem:s7], [sflag:s22] =	dma.local [hbm:s5], s20  }
0xa4: {  	_ =	swait.ge [sflag:s22], s20  }
0xa5: {  	s4 =	ssub.s32 $0x0, s20;
	[sflag:s22] =	ssyncset.done $0x0  }
0xa6: {  	[sflag:s22] =	ssyncadd.s32 s4;
	_ =	sdelay $0x1  }
0xa7: {  	s23 =	simm.s32 $0x1B8B  }
0xa8: {  	_ =	swait.ge [sflag:s23], $0x1  }
0xa9: {  	[sflag:s23] =	ssyncset.done $0x0  }
0xaa: {  	s25 =	simm.s32 $0x1B8E;
	s24 =	sld [smem:$0x3FFE];
	[sflag:s23] =	ssyncadd.s32 $0xFFFFFFFF  }
0xab: {  	s26 =	simm.s32 $execute0_lowered;
	[smem:$0x3FD2] =	sst s25  }
0xac: {  	s5 =	sshll.u32 s26, $0x1;
	_ =	strace $0x80000046;
	[dreg:$0x1] =	wrdreg $0xFFFFFFFF  }
0xad: {  	s28 =	simm.s32 $_size_execute0_lowered;
	s3 =	sadd.s32 s3, s5;
	[dreg:$0x0] =	wrdreg $0x0  }
0xae: {  	s5 =	sshll.u32 s28, $0x1;
	[dreg:$0x2] =	wrdreg s3  }
0xaf: {  	[dreg:$0x3] =	wrdreg s5  }
0xb0: {  	[dreg:$0x4] =	wrdreg $0xC0  }
0xb1: {  	_ =	task [dreg:s7], $0x5FFFF  }
0xb2: {  	[dreg:$0x1] =	wrdreg $0xFFFFFFFF  }
0xb3: {  	[dreg:$0x0] =	wrdreg $0x60  }
0xb4: {  	[dreg:$0x2] =	wrdreg s24  }
0xb5: {  	[dreg:$0x3] =	wrdreg s16  }
0xb6: {  	[dreg:$0x4] =	wrdreg $0x52080  }
0xb7: {  	[dreg:$0x5] =	wrdreg $0x9  }
0xb8: {  	_ =	task.clear_ibuf [dreg:s7], $0x6FFFF;
	_ =	strace $0x90000046  }
0xb9: {  	s29 =	simm.s32 $0x9;
	_ =	strace $0x80000048  }
0xba: {  	_ =	swait.ge [sflag:s29], $0x1  }
0xbb: {  	[sflag:s29] =	ssyncadd.s32 $0xFFFFFFFF  }
0xbc: {  	_ =	strace $0x90000048  }
0xbd: {  	_ =	sfence  }
0xbe: {  	s30 =	sld [smem:$0x0];
	_ =	sdelay $0x2  }
0xbf: {  	s31 =	sshll.u32 s1, $0xD;
	s1 =	sshrl.u32 s1, $0x2  }
0xc0: {  	s3 =	sand.u32 $0x4000, s31;
	s1 =	sadd.s32 s1, s30  }
0xc1: {  	s0 =	sor.u32 s3, s0;
	s1 =	sshll.u32 s1, $0x11  }
0xc2: {  	s0 =	sor.u32 s1, s0  }
0xc3: {  	s0 =	sadd.s32 $0x8F2B, s0  }
0xc4: {  	[sflag:s0] =	ssyncadd.remote.s32 $0x1  }
0xc5: {  	_ =	sfence.sel $0xFFFF  }
0xc6: {  	[dreg:$0x0] =	wrdreg $0xFFFFFFFF;
	(pc) =	sbr.abs _section_cstart, $3  }
0xc7: {  	[dreg:$0x1] =	wrdreg $0xFFFFFFFF  }
0xc8: {  	_ =	task.clear_ibuf [dreg:s7], $0x2FFFF;
	_ =	strace $0x9FFFFFFF  }
0xc9: {  	(tm) =	ssettm $0x7FFFFFFF  }
tec
execute0_lowered:
.L_overlay_start_1:
0x0: {  	(tag) =	ssettag $0x1  }
0x1: {  	s5 =	rddreg [dreg:$0x0]  }
0x2: {  	s7 =	rddreg [dreg:$0x1]  }
0x3: {  	s1 =	rddreg [dreg:$0x2]  }
0x4: {  	s2 =	srdreg.scid;
	s0 =	rddreg [dreg:$0x3];
	s3 =	simm.s32 $0x0  }
0x5: {  	s4 =	sand.u32 $0x1, s2;
	s2 =	stileid.u32;
	[smem:$0x7FF] =	sst s3  }
0x6: {  	s6 =	sshll.u32 s4, $0x4;
	s8 =	smul.u32 $0x3E8, s2;
	_ =	strace $0x80000047  }
0x7: {  	s9 =	ssub.s32 $0x2, s4;
	s12 =	smul.u32 $0x2710, s4;
	s6 =	sor.u32 s2, s6  }
0x8: {  	p0 =	sgt.u32 s2, $0x9;
	s11 =	sshrl.u32 s9, $0x1;
	s6 =	smul.u32 $0x2710, s6  }
0x9: {  	s10 =	sshrl.u32 s8, $0x3;
	s9 =	ssub.s32 s9, s11;
	s30 =	sadd.s32 s8, s12  }
0xa: {  	s11 =	simm.s32 $0x0;
	s29 =	sadd.s32 s10, s5;
	s31 =	sshrl.u32 s30, $0x3  }
0xb: {  	s10 =	simm.s32 $0x2710;
	s6 =	sshrl.u32 s6, $0x3;
	s4 =	sadd.s32 $0x1FA00, s29  }
0xc: {  	s7 =	sadd.s32 s7, s31;
	s6 =	sadd.s32 s5, s6;
	s5 =	sadd.s32 s8, s1  }
0xd: {  	v0 =	vimm.f32 $1.000000000e+00;
	s8 =	smax.u32 s9, $0x1;
	s9 =	simm.s32 $0x1;
	s6 =	sadd.s32 $0x15C80, s6  }
.LBB2_1:
0xe: {  	s12 =	simm.s32 @!p0 $0x0;
	s13 =	simm.s32 @!p0 $0x4E20  }
0xf: {  	[tilespmem:s13], [sflag:$0x1] =	stream.linear.gather @!p0 [hbm4b:s4+s12], $0x3E8, $0x38;
	[tilespmem:$0x5480] =	vst v63  }
0x10: {  	s12 =	simm.s32 @!p0 $0x1  }
0x11: {  	_ =	swait.ge @!p0 [sflag:s12], $0x3E8  }
0x12: {  	[sflag:s12] =	ssyncset.done @!p0 $0x0  }
0x13: {  	[sflag:s12] =	ssyncadd.s32 @!p0 $0xFFFFFC18  }
0x14: {  	[spmem:s5] =	stream.linear.scatter @!p0 [tilespmem:s13], [sflag:$0x1], $0x3E8, $0x38;
	[tilespmem:$0x5480] =	vst v63  }
0x15: {  	_ =	swait.ge @!p0 [sflag:s12], $0x3E8  }
0x16: {  	[sflag:s12] =	ssyncset.done @!p0 $0x0  }
0x17: {  	s13 =	simm.s32 $0x0;
	[sflag:s12] =	ssyncadd.s32 @!p0 $0xFFFFFC18;
	s12 =	simm.s32 $0x40  }
.LBB2_2:
0x18: {  	p1 =	sne.s32 s12, $0x9C00;
	[tilespmem:s13+$0x2710] =	vst v0;
	s13 =	smov.u32 s12;
	s12 =	sadd.s32 $0x40, s12  }
.Ltmp0:
0x19: {  	(pc) =	sbr.rel @p1 .LBB2_2-.Ltmp0, $2  }
0x1a: {  	_ =	sdelay $0x2  }
0x1b: {  	s13 =	sshra.s32 s13, $0x2  }
0x1c: {  	[tilespmem:s13+$0x2710] =	vst v0  }
0x1d: {  	[tilespmem:s3], [sflag:$0x1] =	stream.linear.gather [hbm4b:s6+s3], $0x2710, $0x38;
	[tilespmem:$0x5480] =	vst v63  }
0x1e: {  	_ =	swait.ge [sflag:s9], $0x2710  }
0x1f: {  	[sflag:s9] =	ssyncset.done $0x0  }
0x20: {  	[sflag:s9] =	ssyncadd.s32 $0xFFFFD8F0  }
0x21: {  	[bflag:$0x0] =	sbarrier.arrive $0xFFFF  }
0x22: {  	[spmem:s1] =	stream.indirect.scatter.add.f32 [tilespmem:s10], [sflag:$0x1], $0x1, s3, s10, $0xb8;
	[tilespmem:$0x5480] =	vst v63  }
0x23: {  	_ =	swait.ge [sflag:s9], $0x2710  }
0x24: {  	[sflag:s9] =	ssyncset.done $0x0  }
0x25: {  	[sflag:s9] =	ssyncadd.s32 $0xFFFFD8F0  }
0x26: {  	s12 =	simm.s32 @!p0 $0x4E20;
	s13 =	simm.s32 @!p0 $0x1;
	[bflag:$0x0] =	sbarrier.arrive $0xFFFF  }
0x27: {  	[tilespmem:s12], [sflag:$0x1] =	stream.linear.gather @!p0 [spmem:s5], $0x3E8, $0x38;
	[tilespmem:$0x5480] =	vst v63  }
0x28: {  	s11 =	sadd.s32 $0x1, s11;
	_ =	swait.ge @!p0 [sflag:s13], $0x3E8  }
0x29: {  	p1 =	sne.s32 s11, s8;
	[sflag:s13] =	ssyncset.done @!p0 $0x0  }
.Ltmp1:
0x2a: {  	s14 =	simm.s32 @!p0 $0x0;
	[sflag:s13] =	ssyncadd.s32 @!p0 $0xFFFFFC18;
	(pc) =	sbr.rel @p1 .LBB2_1-.Ltmp1, $4  }
0x2b: {  	[hbm4b:s7+s14] =	stream.linear.scatter @!p0 [tilespmem:s12], [sflag:$0x1], $0x3E8, $0x38;
	[tilespmem:$0x5480] =	vst v63  }
0x2c: {  	_ =	swait.ge @!p0 [sflag:s13], $0x3E8  }
0x2d: {  	[sflag:s13] =	ssyncset.done @!p0 $0x0  }
0x2e: {  	[sflag:s13] =	ssyncadd.s32 @!p0 $0xFFFFFC18  }
0x2f: {  	_ =	sfence.sel $0x180000  }
0x30: {  	[bflag:$0x0] =	sbarrier.arrive $0xFFFF  }
0x31: {  	p0 =	sne.s32 s2, $0x0;
	_ =	strace $0x90000047  }
0x32: {  	s0 =	sadd.s32 @!p0 $0x100000, s0;
	[bflag:$0x2] =	sbarrier.arrive $0xFFFF  }
0x33: {  	[sflag:s0] =	ssyncadd.tile.s32 @!p0 $0x1;
	_ =	shalt  }
.Lfunc_end2:
_tile_overlayer_lowered:
.L_overlay_start_2:
0x34: {  	(tag) =	ssettag $0x2  }
0x35: {  	s0 =	rddreg [dreg:$0x0];
	s2 =	stileid.u32  }
0x36: {  	s1 =	rddreg [dreg:$0x1];
	p0 =	sne.s32 s2, $0x0  }
0x37: {  	s3 =	rddreg [dreg:$0x2];
	[bflag:$0x3] =	sbarrier.arrive $0xFFFF;
	s2 =	simm.s32 @!p0 $0x1C01  }
0x38: {  	[timem:s3], [sflag:s2] =	dma.local @!p0 [hbm:s0], s1  }
0x39: {  	s0 =	simm.s32 @!p0 $0x1  }
0x3a: {  	_ =	swait.ge @!p0 [sflag:s0], s1  }
0x3b: {  	s1 =	ssub.s32 @!p0 $0x0, s1;
	[sflag:s0] =	ssyncset.done @!p0 $0x0  }
0x3c: {  	[sflag:s0] =	ssyncadd.s32 @!p0 s1  }
0x3d: {  	[bflag:$0x3] =	sbarrier.arrive $0xFFFF  }
0x3e: {  	_ =	shalt  }

</sc_bundles>
